<compile_context>
chip_gen: v7x
topology: tpu7x:2x2x1
jax: 0.10.2.dev20260603
libtpu: 0.0.44.dev20260713+nightly
codegen_flags: <defaults>
</compile_context>

<pallas_src>
import functools

import jax
import jax.numpy as jnp
from jax import lax
from jax.experimental import pallas as pl
from jax.experimental.pallas import tpu as pltpu
from jax.experimental.pallas import tpu_sc as plsc

N_NODES = 10000
N_EDGES = 320000
D = 128

NC = 2
NS = 16
EDGES_PER_CORE = N_EDGES // NC
EDGES_PER_TILE = EDGES_PER_CORE // NS
CHUNK = 80
N_CHUNKS = EDGES_PER_TILE // CHUNK
ROWS_PER_TILE = 632
N_PAD = ROWS_PER_TILE * NS


def _make_sc_agg(compute_deg: bool):
    mesh = plsc.VectorSubcoreMesh(core_axis_name="c", subcore_axis_name="s")

    out_type = [jax.ShapeDtypeStruct((NC * N_PAD, D), jnp.float32)]
    if compute_deg:
        out_type.append(jax.ShapeDtypeStruct((NC, N_PAD), jnp.float32))

    scratch = [
        pltpu.VMEM_SHARED((N_PAD, D), jnp.float32),
        pltpu.VMEM((EDGES_PER_TILE,), jnp.int32),
        pltpu.VMEM((N_CHUNKS, CHUNK), jnp.int32),
        pltpu.VMEM((CHUNK, D), jnp.float32),
        pltpu.VMEM((CHUNK, D), jnp.float32),
        pltpu.SemaphoreType.DMA,
        pltpu.SemaphoreType.DMA,
    ]
    if compute_deg:
        scratch += [
            pltpu.VMEM_SHARED((N_PAD,), jnp.float32),
            pltpu.VMEM((CHUNK,), jnp.float32),
        ]

    def body(x_hbm, src_hbm, dst_hbm, zeros_hbm, zdeg_hbm, part_hbm, *rest):
        if compute_deg:
            deg_hbm = rest[0]
            acc_sh, srct_v, dstt_v, rows_a, rows_b, sem, sem_s, deg_sh, ones_v = rest[1:]
        else:
            (acc_sh, srct_v, dstt_v, rows_a, rows_b, sem, sem_s) = rest

        c = lax.axis_index("c")
        s = lax.axis_index("s")
        tid = c * NS + s

        pltpu.sync_copy(src_hbm.at[tid], srct_v)
        pltpu.sync_copy(dst_hbm.at[tid], dstt_v)

        pltpu.async_copy(
            x_hbm.at[srct_v.at[pl.ds(0, CHUNK)]], rows_a, sem)

        pltpu.sync_copy(
            zeros_hbm.at[pl.ds(s * ROWS_PER_TILE, ROWS_PER_TILE)],
            acc_sh.at[pl.ds(s * ROWS_PER_TILE, ROWS_PER_TILE)],
        )
        if compute_deg:
            for i in range(CHUNK // 16):
                ones_v[pl.ds(i * 16, 16)] = jnp.ones((16,), jnp.float32)

            @pl.when(s == 0)
            def _():
                pltpu.sync_copy(zdeg_hbm.at[0], deg_sh)

        plsc.subcore_barrier()

        def gather(i, buf):
            pltpu.async_copy(x_hbm.at[srct_v.at[pl.ds(i * CHUNK, CHUNK)]], buf, sem)

        def wait_rows(buf):
            pltpu.make_async_copy(zeros_hbm.at[pl.ds(0, CHUNK)], buf, sem).wait()

        def scatter(i, buf):
            pltpu.async_copy(buf, acc_sh.at[dstt_v.at[i]], sem_s, add=True)
            if compute_deg:
                pltpu.sync_copy(ones_v, deg_sh.at[dstt_v.at[i]], add=True)

        def wait_scatter(buf):
            pltpu.make_async_copy(buf, acc_sh.at[dstt_v.at[0]], sem_s).wait()

        def chunk_body(i, _):
            a = 2 * i
            b = a + 1
            nxt = a + 2
            wait_rows(rows_a)
            gather(b, rows_b)
            scatter(a, rows_a)
            wait_rows(rows_b)
            wait_scatter(rows_a)

            @pl.when(nxt < N_CHUNKS)
            def _():
                gather(nxt, rows_a)

            scatter(b, rows_b)
            wait_scatter(rows_b)
            return ()

        lax.fori_loop(0, N_CHUNKS // 2, chunk_body, ())
        if N_CHUNKS % 2 == 1:
            wait_rows(rows_a)
            scatter(N_CHUNKS - 1, rows_a)
            wait_scatter(rows_a)

        plsc.subcore_barrier()

        row0 = s * ROWS_PER_TILE
        pltpu.sync_copy(
            acc_sh.at[pl.ds(row0, ROWS_PER_TILE)],
            part_hbm.at[pl.ds(c * N_PAD + row0, ROWS_PER_TILE)],
        )
        if compute_deg:
            @pl.when(s == 0)
            def _():
                pltpu.sync_copy(deg_sh, deg_hbm.at[c])

    return pl.kernel(
        body,
        out_type=tuple(out_type) if compute_deg else out_type[0],
        mesh=mesh,
        scratch_types=scratch,
    )


_sc_agg_with_deg = _make_sc_agg(True)
_sc_agg = _make_sc_agg(False)


ROW_BLK = ROWS_PER_TILE
GRID = N_PAD // ROW_BLK


def _tc_xr_body(x, wr, b, out):
    out[...] = (
        jnp.dot(x[...], wr[...], preferred_element_type=jnp.float32) + b[...]
    )


_tc_xr = pl.pallas_call(
    _tc_xr_body,
    out_shape=jax.ShapeDtypeStruct((N_PAD, D), jnp.float32),
    grid=(GRID,),
    in_specs=[
        pl.BlockSpec((ROW_BLK, D), lambda i: (i, 0)),
        pl.BlockSpec((D, D), lambda i: (0, 0)),
        pl.BlockSpec((1, D), lambda i: (0, 0)),
    ],
    out_specs=pl.BlockSpec((ROW_BLK, D), lambda i: (i, 0)),
)


def _make_tc_combine(relu: bool):

    def tc_body(pa, pb, da, db, xr, wl, out):
        deg = jnp.maximum(da[...] + db[...], 1.0)
        mean = (pa[...] + pb[...]) / deg
        y = jnp.dot(mean, wl[...], preferred_element_type=jnp.float32) + xr[...]
        if relu:
            y = jnp.maximum(y, 0.0)
        out[...] = y

    return pl.pallas_call(
        tc_body,
        out_shape=jax.ShapeDtypeStruct((N_PAD, D), jnp.float32),
        grid=(GRID,),
        in_specs=[
            pl.BlockSpec((ROW_BLK, D), lambda i: (i, 0)),
            pl.BlockSpec((ROW_BLK, D), lambda i: (i + GRID, 0)),
            pl.BlockSpec((ROW_BLK, 1), lambda i: (i, 0)),
            pl.BlockSpec((ROW_BLK, 1), lambda i: (i + GRID, 0)),
            pl.BlockSpec((ROW_BLK, D), lambda i: (i, 0)),
            pl.BlockSpec((D, D), lambda i: (0, 0)),
        ],
        out_specs=pl.BlockSpec((ROW_BLK, D), lambda i: (i, 0)),
    )


_tc_relu = _make_tc_combine(True)
_tc_lin = _make_tc_combine(False)


@jax.jit
def _impl(x, edge_index, W_l1, b1, W_r1, W_l2, b2, W_r2):
    src = edge_index[0].reshape(NC * NS, EDGES_PER_TILE)
    dst = edge_index[1].reshape(NC * NS, N_CHUNKS, CHUNK)
    x_pad = jnp.concatenate([x, jnp.zeros((N_PAD - N_NODES, D), jnp.float32)])
    zeros2d = jnp.zeros((N_PAD, D), jnp.float32)
    zdeg = jnp.zeros((1, N_PAD), jnp.float32)
    b1r = b1.reshape(1, D)
    b2r = b2.reshape(1, D)

    xr1 = _tc_xr(x_pad, W_r1, b1r)
    part1, deg = _sc_agg_with_deg(x_pad, src, dst, zeros2d, zdeg)
    deg2 = deg.reshape(NC * N_PAD, 1)
    h = _tc_relu(part1, part1, deg2, deg2, xr1, W_l1)
    hr2 = _tc_xr(h, W_r2, b2r)
    part2 = _sc_agg(h, src, dst, zeros2d, zdeg)
    out = _tc_lin(part2, part2, deg2, deg2, hr2, W_l2)
    return lax.slice(out, (0, 0), (N_NODES, D))


def kernel(x, edge_index, W_l1, b1, W_r1, W_l2, b2, W_r2):
    return _impl(x, edge_index, W_l1, b1, W_r1, W_l2, b2, W_r2)

# --- scband reference (transcript-rebuilt; emitter-appended) ---
"""Pipeline reference for scband-graph-sageencoder-18957985644790 (READ-ONLY COPY).

The authoritative reference and input builder live on the scoring server;
editing this copy changes nothing except your own understanding.
"""

import jax, jax.numpy as jnp
import numpy as np

N_NODES = 10000
N_EDGES = 320000
D_IN = 128
D_HID = 128


def setup_inputs(seed: int = 0) -> dict:
    key = jax.random.key(seed)
    ks = jax.random.split(key, 9)
    x = jax.random.normal(ks[0], (N_NODES, D_IN), dtype=jnp.float32)
    edge_index = jax.random.randint(ks[1], (2, N_EDGES), 0, N_NODES, dtype=jnp.int32)
    s_in = 1.0 / np.sqrt(D_IN)
    s_hid = 1.0 / np.sqrt(D_HID)
    W_l1 = jax.random.normal(ks[2], (D_IN, D_HID), dtype=jnp.float32) * s_in
    W_r1 = jax.random.normal(ks[3], (D_IN, D_HID), dtype=jnp.float32) * s_in
    b1 = jnp.zeros((D_HID,), dtype=jnp.float32)
    W_l2 = jax.random.normal(ks[4], (D_HID, D_HID), dtype=jnp.float32) * s_hid
    W_r2 = jax.random.normal(ks[5], (D_HID, D_HID), dtype=jnp.float32) * s_hid
    b2 = jnp.zeros((D_HID,), dtype=jnp.float32)
    return {"x": x, "edge_index": edge_index, "W_l1": W_l1, "b1": b1, "W_r1": W_r1, "W_l2": W_l2, "b2": b2, "W_r2": W_r2}


def _sage_conv(x, edge_index, W_l, b, W_r):
    # PyG SAGEConv (aggr='mean'): out = lin_l(mean_{j in N(i)} x_j) + lin_r(x_i)
    src = edge_index[0]
    dst = edge_index[1]
    n = x.shape[0]
    msgs = jnp.take(x, src, axis=0)              # gather (SparseCore)
    agg = jax.ops.segment_sum(msgs, dst, num_segments=n)  # scatter-add
    deg = jax.ops.segment_sum(jnp.ones((edge_index.shape[1],), dtype=x.dtype), dst, num_segments=n)
    mean = agg / jnp.clip(deg, 1.0)[:, None]
    return mean @ W_l + b + x @ W_r


def reference(x, edge_index, W_l1, b1, W_r1, W_l2, b2, W_r2):
    h = _sage_conv(x, edge_index, W_l1, b1, W_r1)
    h = jax.nn.relu(h)
    # dropout(0.3) is identity in eval mode
    out = _sage_conv(h, edge_index, W_l2, b2, W_r2)
    return out

if __name__ == "__main__":
    import jax
    _d = setup_inputs()
    print(jax.jit(kernel)(*tuple(_d.values())))

</pallas_src>

<mosaic_0001>
#map = affine_map<(d0, d1) -> (0, 0)>
#map1 = affine_map<(d0, d1) -> (0, 0, 0)>
module attributes {stable_mosaic.version = 14 : i64} {
  func.func @body(%arg0: i32, %arg1: i32, %arg2: memref<10112x128xf32, #tpu.memory_space<hbm>>, %arg3: memref<32x10000xi32, #tpu.memory_space<hbm>>, %arg4: memref<32x125x80xi32, #tpu.memory_space<hbm>>, %arg5: memref<10112x128xf32, #tpu.memory_space<hbm>>, %arg6: memref<1x10112xf32, #tpu.memory_space<hbm>>, %arg7: memref<20224x128xf32, #tpu.memory_space<hbm>>, %arg8: memref<10112x128xf32, #tpu.memory_space<vmem_shared>>, %arg9: memref<10000xi32, #tpu.memory_space<vmem>>, %arg10: memref<125x80xi32, #tpu.memory_space<vmem>>, %arg11: memref<80x128xf32, #tpu.memory_space<vmem>>, %arg12: memref<80x128xf32, #tpu.memory_space<vmem>>, %arg13: memref<!tpu.dma_semaphore, #tpu.memory_space<semaphore_mem>>, %arg14: memref<!tpu.dma_semaphore, #tpu.memory_space<semaphore_mem>>) attributes {dimension_semantics = [#tpu.dimension_semantics<core_parallel>, #tpu.dimension_semantics<subcore_parallel>], iteration_bounds = array<i64: 2, 16>, scalar_prefetch = 0 : i64, scratch_operands = 7 : i64, tpu.core_type = #tpu.core_type<sc_vector_subcore>, window_params = [{transform_indices = #map}, {transform_indices = #map}, {transform_indices = #map1}, {transform_indices = #map}, {transform_indices = #map}, {transform_indices = #map}]} {
    %mul3A = arith.constant 16 : i32
    %mul3A_0 = arith.muli %arg0, %mul3A : i32
    %add3A = arith.addi %mul3A_0, %arg1 : i32
    "tpu.region"() ({
      %run_scoped3A = tpu.sem_alloc : memref<!tpu.dma_semaphore, #tpu.memory_space<semaphore_mem>>
      %dma_start3A_38 = arith.constant 0 : i32
      %dma_start3A_39 = tpu.memref_slice %arg3[%add3A, %dma_start3A_38] : memref<32x10000xi32, #tpu.memory_space<hbm>> -> memref<1x10000xi32, #tpu.memory_space<hbm>>
      %dma_start3A_40 = tpu.memref_squeeze %dma_start3A_39 : memref<1x10000xi32, #tpu.memory_space<hbm>> -> memref<10000xi32, #tpu.memory_space<hbm>>
      %dma_start3A_41 = arith.constant 0 : i32
      %dma_start3A_42 = tpu.memref_slice %arg3[%add3A, %dma_start3A_41] : memref<32x10000xi32, #tpu.memory_space<hbm>> -> memref<1x10000xi32, #tpu.memory_space<hbm>>
      %dma_start3A_43 = tpu.memref_squeeze %dma_start3A_42 : memref<1x10000xi32, #tpu.memory_space<hbm>> -> memref<10000xi32, #tpu.memory_space<hbm>>
      tpu.enqueue_dma source(%dma_start3A_43 : memref<10000xi32, #tpu.memory_space<hbm>>) target(%arg9 : memref<10000xi32, #tpu.memory_space<vmem>>) target_semaphore(%run_scoped3A : memref<!tpu.dma_semaphore, #tpu.memory_space<semaphore_mem>>)
      %dma_wait3A_44 = arith.constant 0 : i32
      %dma_wait3A_45 = tpu.memref_slice %arg3[%add3A, %dma_wait3A_44] : memref<32x10000xi32, #tpu.memory_space<hbm>> -> memref<1x10000xi32, #tpu.memory_space<hbm>>
      %dma_wait3A_46 = tpu.memref_squeeze %dma_wait3A_45 : memref<1x10000xi32, #tpu.memory_space<hbm>> -> memref<10000xi32, #tpu.memory_space<hbm>>
      %dma_wait3A_47 = arith.constant 0 : i32
      %dma_wait3A_48 = tpu.memref_slice %arg3[%add3A, %dma_wait3A_47] : memref<32x10000xi32, #tpu.memory_space<hbm>> -> memref<1x10000xi32, #tpu.memory_space<hbm>>
      %dma_wait3A_49 = tpu.memref_squeeze %dma_wait3A_48 : memref<1x10000xi32, #tpu.memory_space<hbm>> -> memref<10000xi32, #tpu.memory_space<hbm>>
      tpu.wait_dma2 semaphore(%run_scoped3A : memref<!tpu.dma_semaphore, #tpu.memory_space<semaphore_mem>>) src(%dma_wait3A_49 : memref<10000xi32, #tpu.memory_space<hbm>>) dst(%arg9 : memref<10000xi32, #tpu.memory_space<vmem>>)
      tpu.yield
    }) : () -> ()
    "tpu.region"() ({
      %run_scoped3A = tpu.sem_alloc : memref<!tpu.dma_semaphore, #tpu.memory_space<semaphore_mem>>
      %dma_start3A_38 = arith.constant 0 : i32
      %dma_start3A_39 = arith.constant 0 : i32
      %dma_start3A_40 = tpu.memref_slice %arg4[%add3A, %dma_start3A_38, %dma_start3A_39] : memref<32x125x80xi32, #tpu.memory_space<hbm>> -> memref<1x125x80xi32, #tpu.memory_space<hbm>>
      %dma_start3A_41 = tpu.memref_squeeze %dma_start3A_40 : memref<1x125x80xi32, #tpu.memory_space<hbm>> -> memref<125x80xi32, #tpu.memory_space<hbm>>
      %dma_start3A_42 = arith.constant 0 : i32
      %dma_start3A_43 = arith.constant 0 : i32
      %dma_start3A_44 = tpu.memref_slice %arg4[%add3A, %dma_start3A_42, %dma_start3A_43] : memref<32x125x80xi32, #tpu.memory_space<hbm>> -> memref<1x125x80xi32, #tpu.memory_space<hbm>>
      %dma_start3A_45 = tpu.memref_squeeze %dma_start3A_44 : memref<1x125x80xi32, #tpu.memory_space<hbm>> -> memref<125x80xi32, #tpu.memory_space<hbm>>
      tpu.enqueue_dma source(%dma_start3A_45 : memref<125x80xi32, #tpu.memory_space<hbm>>) target(%arg10 : memref<125x80xi32, #tpu.memory_space<vmem>>) target_semaphore(%run_scoped3A : memref<!tpu.dma_semaphore, #tpu.memory_space<semaphore_mem>>)
      %dma_wait3A_46 = arith.constant 0 : i32
      %dma_wait3A_47 = arith.constant 0 : i32
      %dma_wait3A_48 = tpu.memref_slice %arg4[%add3A, %dma_wait3A_46, %dma_wait3A_47] : memref<32x125x80xi32, #tpu.memory_space<hbm>> -> memref<1x125x80xi32, #tpu.memory_space<hbm>>
      %dma_wait3A_49 = tpu.memref_squeeze %dma_wait3A_48 : memref<1x125x80xi32, #tpu.memory_space<hbm>> -> memref<125x80xi32, #tpu.memory_space<hbm>>
      %dma_wait3A_50 = arith.constant 0 : i32
      %dma_wait3A_51 = arith.constant 0 : i32
      %dma_wait3A_52 = tpu.memref_slice %arg4[%add3A, %dma_wait3A_50, %dma_wait3A_51] : memref<32x125x80xi32, #tpu.memory_space<hbm>> -> memref<1x125x80xi32, #tpu.memory_space<hbm>>
      %dma_wait3A_53 = tpu.memref_squeeze %dma_wait3A_52 : memref<1x125x80xi32, #tpu.memory_space<hbm>> -> memref<125x80xi32, #tpu.memory_space<hbm>>
      tpu.wait_dma2 semaphore(%run_scoped3A : memref<!tpu.dma_semaphore, #tpu.memory_space<semaphore_mem>>) src(%dma_wait3A_53 : memref<125x80xi32, #tpu.memory_space<hbm>>) dst(%arg10 : memref<125x80xi32, #tpu.memory_space<vmem>>)
      tpu.yield
    }) : () -> ()
    %dma_start3A = arith.constant 0 : i32
    %dma_start3A_1 = tpu.memref_slice %arg9[%dma_start3A] : memref<10000xi32, #tpu.memory_space<vmem>> -> memref<80xi32, #tpu.memory_space<vmem>>
    %dma_start3A_2 = arith.constant 0 : i32
    %dma_start3A_3 = arith.constant 0 : i32
    %dma_start3A_4 = tpu.memref_slice %arg2[%dma_start3A_2, %dma_start3A_3] : memref<10112x128xf32, #tpu.memory_space<hbm>> -> memref<10112x128xf32, #tpu.memory_space<hbm>>
    tpu.enqueue_indirect_dma source(%dma_start3A_4 : memref<10112x128xf32, #tpu.memory_space<hbm>>) target(%arg11 : memref<80x128xf32, #tpu.memory_space<vmem>>) offsets(%dma_start3A_1 : memref<80xi32, #tpu.memory_space<vmem>>) semaphore(%arg13 : memref<!tpu.dma_semaphore, #tpu.memory_space<semaphore_mem>>)
    %mul3A_5 = arith.constant 632 : i32
    %mul3A_6 = arith.muli %arg1, %mul3A_5 : i32
    %mul3A_7 = arith.constant 632 : i32
    %mul3A_8 = arith.muli %arg1, %mul3A_7 : i32
    "tpu.region"() ({
      %run_scoped3A = tpu.sem_alloc : memref<!tpu.dma_semaphore, #tpu.memory_space<semaphore_mem>>
      %dma_start3A_38 = arith.constant 0 : i32
      %dma_start3A_39 = tpu.memref_slice %arg8[%mul3A_8, %dma_start3A_38] : memref<10112x128xf32, #tpu.memory_space<vmem_shared>> -> memref<632x128xf32, #tpu.memory_space<vmem_shared>>
      %dma_start3A_40 = arith.constant 0 : i32
      %dma_start3A_41 = tpu.memref_slice %arg5[%mul3A_6, %dma_start3A_40] : memref<10112x128xf32, #tpu.memory_space<hbm>> -> memref<632x128xf32, #tpu.memory_space<hbm>>
      tpu.enqueue_dma source(%dma_start3A_41 : memref<632x128xf32, #tpu.memory_space<hbm>>) target(%dma_start3A_39 : memref<632x128xf32, #tpu.memory_space<vmem_shared>>) target_semaphore(%run_scoped3A : memref<!tpu.dma_semaphore, #tpu.memory_space<semaphore_mem>>)
      %dma_wait3A_42 = arith.constant 0 : i32
      %dma_wait3A_43 = tpu.memref_slice %arg8[%mul3A_8, %dma_wait3A_42] : memref<10112x128xf32, #tpu.memory_space<vmem_shared>> -> memref<632x128xf32, #tpu.memory_space<vmem_shared>>
      %dma_wait3A_44 = arith.constant 0 : i32
      %dma_wait3A_45 = tpu.memref_slice %arg5[%mul3A_6, %dma_wait3A_44] : memref<10112x128xf32, #tpu.memory_space<hbm>> -> memref<632x128xf32, #tpu.memory_space<hbm>>
      tpu.wait_dma2 semaphore(%run_scoped3A : memref<!tpu.dma_semaphore, #tpu.memory_space<semaphore_mem>>) src(%dma_wait3A_45 : memref<632x128xf32, #tpu.memory_space<hbm>>) dst(%dma_wait3A_43 : memref<632x128xf32, #tpu.memory_space<vmem_shared>>)
      tpu.yield
    }) : () -> ()
    %barrier3A = arith.constant 0 : index
    tpu.barrier barrier_id(%barrier3A)
    %scan3A = arith.constant 0 : i32
    %scan3A_9 = arith.constant 62 : i32
    %scan3A_10 = arith.addi %scan3A, %scan3A_9 : i32
    %scan3A_11 = arith.constant 1 : i32
    scf.for %scan3A_38 = %scan3A to %scan3A_10 step %scan3A_11  : i32 {
      %mul3A_39 = arith.constant 2 : i32
      %mul3A_40 = arith.muli %mul3A_39, %scan3A_38 : i32
      %add3A_41 = arith.constant 1 : i32
      %add3A_42 = arith.addi %mul3A_40, %add3A_41 : i32
      %add3A_43 = arith.constant 2 : i32
      %add3A_44 = arith.addi %mul3A_40, %add3A_43 : i32
      %dma_wait3A_45 = arith.constant 0 : i32
      %dma_wait3A_46 = arith.constant 0 : i32
      %dma_wait3A_47 = tpu.memref_slice %arg5[%dma_wait3A_45, %dma_wait3A_46] : memref<10112x128xf32, #tpu.memory_space<hbm>> -> memref<80x128xf32, #tpu.memory_space<hbm>>
      %dma_wait3A_48 = arith.constant 0 : i32
      %dma_wait3A_49 = arith.constant 0 : i32
      %dma_wait3A_50 = tpu.memref_slice %arg5[%dma_wait3A_48, %dma_wait3A_49] : memref<10112x128xf32, #tpu.memory_space<hbm>> -> memref<80x128xf32, #tpu.memory_space<hbm>>
      tpu.wait_dma2 semaphore(%arg13 : memref<!tpu.dma_semaphore, #tpu.memory_space<semaphore_mem>>) src(%dma_wait3A_50 : memref<80x128xf32, #tpu.memory_space<hbm>>) dst(%arg11 : memref<80x128xf32, #tpu.memory_space<vmem>>)
      %mul3A_51 = arith.constant 80 : i32
      %mul3A_52 = arith.muli %add3A_42, %mul3A_51 : i32
      %dma_start3A_53 = tpu.memref_slice %arg9[%mul3A_52] : memref<10000xi32, #tpu.memory_space<vmem>> -> memref<80xi32, #tpu.memory_space<vmem>>
      %dma_start3A_54 = arith.constant 0 : i32
      %dma_start3A_55 = arith.constant 0 : i32
      %dma_start3A_56 = tpu.memref_slice %arg2[%dma_start3A_54, %dma_start3A_55] : memref<10112x128xf32, #tpu.memory_space<hbm>> -> memref<10112x128xf32, #tpu.memory_space<hbm>>
      tpu.enqueue_indirect_dma source(%dma_start3A_56 : memref<10112x128xf32, #tpu.memory_space<hbm>>) target(%arg12 : memref<80x128xf32, #tpu.memory_space<vmem>>) offsets(%dma_start3A_53 : memref<80xi32, #tpu.memory_space<vmem>>) semaphore(%arg13 : memref<!tpu.dma_semaphore, #tpu.memory_space<semaphore_mem>>)
      %dma_start3A_57 = arith.constant 0 : i32
      %dma_start3A_58 = tpu.memref_slice %arg10[%mul3A_40, %dma_start3A_57] : memref<125x80xi32, #tpu.memory_space<vmem>> -> memref<1x80xi32, #tpu.memory_space<vmem>>
      %dma_start3A_59 = tpu.memref_squeeze %dma_start3A_58 : memref<1x80xi32, #tpu.memory_space<vmem>> -> memref<80xi32, #tpu.memory_space<vmem>>
      %dma_start3A_60 = arith.constant 0 : i32
      %dma_start3A_61 = arith.constant 0 : i32
      %dma_start3A_62 = tpu.memref_slice %arg8[%dma_start3A_60, %dma_start3A_61] : memref<10112x128xf32, #tpu.memory_space<vmem_shared>> -> memref<10112x128xf32, #tpu.memory_space<vmem_shared>>
      tpu.enqueue_indirect_dma source(%arg11 : memref<80x128xf32, #tpu.memory_space<vmem>>) target(%dma_start3A_62 : memref<10112x128xf32, #tpu.memory_space<vmem_shared>>) offsets(%dma_start3A_59 : memref<80xi32, #tpu.memory_space<vmem>>) semaphore(%arg14 : memref<!tpu.dma_semaphore, #tpu.memory_space<semaphore_mem>>) {add = true}
      %dma_wait3A_63 = arith.constant 0 : i32
      %dma_wait3A_64 = arith.constant 0 : i32
      %dma_wait3A_65 = tpu.memref_slice %arg5[%dma_wait3A_63, %dma_wait3A_64] : memref<10112x128xf32, #tpu.memory_space<hbm>> -> memref<80x128xf32, #tpu.memory_space<hbm>>
      %dma_wait3A_66 = arith.constant 0 : i32
      %dma_wait3A_67 = arith.constant 0 : i32
      %dma_wait3A_68 = tpu.memref_slice %arg5[%dma_wait3A_66, %dma_wait3A_67] : memref<10112x128xf32, #tpu.memory_space<hbm>> -> memref<80x128xf32, #tpu.memory_space<hbm>>
      tpu.wait_dma2 semaphore(%arg13 : memref<!tpu.dma_semaphore, #tpu.memory_space<semaphore_mem>>) src(%dma_wait3A_68 : memref<80x128xf32, #tpu.memory_space<hbm>>) dst(%arg12 : memref<80x128xf32, #tpu.memory_space<vmem>>)
      %dma_wait3A_69 = arith.constant 0 : i32
      %dma_wait3A_70 = arith.constant 0 : i32
      %dma_wait3A_71 = tpu.memref_slice %arg10[%dma_wait3A_69, %dma_wait3A_70] : memref<125x80xi32, #tpu.memory_space<vmem>> -> memref<1x80xi32, #tpu.memory_space<vmem>>
      %dma_wait3A_72 = tpu.memref_squeeze %dma_wait3A_71 : memref<1x80xi32, #tpu.memory_space<vmem>> -> memref<80xi32, #tpu.memory_space<vmem>>
      %dma_wait3A_73 = arith.constant 0 : i32
      %dma_wait3A_74 = arith.constant 0 : i32
      %dma_wait3A_75 = tpu.memref_slice %arg8[%dma_wait3A_73, %dma_wait3A_74] : memref<10112x128xf32, #tpu.memory_space<vmem_shared>> -> memref<10112x128xf32, #tpu.memory_space<vmem_shared>>
      tpu.wait_indirect_dma semaphore(%arg14 : memref<!tpu.dma_semaphore, #tpu.memory_space<semaphore_mem>>) src(%arg11 : memref<80x128xf32, #tpu.memory_space<vmem>>) dst(%dma_wait3A_75 : memref<10112x128xf32, #tpu.memory_space<vmem_shared>>)
      %lt3A = arith.constant 125 : i32
      %lt3A_76 = arith.cmpi slt, %add3A_44, %lt3A : i32
      %convert_element_type3A = arith.extui %lt3A_76 : i1 to i32
      %cond3A = arith.constant 0 : i32
      %cond3A_77 = arith.cmpi ne, %convert_element_type3A, %cond3A : i32
      scf.if %cond3A_77 {
        %mul3A_91 = arith.constant 80 : i32
        %mul3A_92 = arith.muli %add3A_44, %mul3A_91 : i32
        %dma_start3A_93 = tpu.memref_slice %arg9[%mul3A_92] : memref<10000xi32, #tpu.memory_space<vmem>> -> memref<80xi32, #tpu.memory_space<vmem>>
        %dma_start3A_94 = arith.constant 0 : i32
        %dma_start3A_95 = arith.constant 0 : i32
        %dma_start3A_96 = tpu.memref_slice %arg2[%dma_start3A_94, %dma_start3A_95] : memref<10112x128xf32, #tpu.memory_space<hbm>> -> memref<10112x128xf32, #tpu.memory_space<hbm>>
        tpu.enqueue_indirect_dma source(%dma_start3A_96 : memref<10112x128xf32, #tpu.memory_space<hbm>>) target(%arg11 : memref<80x128xf32, #tpu.memory_space<vmem>>) offsets(%dma_start3A_93 : memref<80xi32, #tpu.memory_space<vmem>>) semaphore(%arg13 : memref<!tpu.dma_semaphore, #tpu.memory_space<semaphore_mem>>)
      } else {
      }
      %dma_start3A_78 = arith.constant 0 : i32
      %dma_start3A_79 = tpu.memref_slice %arg10[%add3A_42, %dma_start3A_78] : memref<125x80xi32, #tpu.memory_space<vmem>> -> memref<1x80xi32, #tpu.memory_space<vmem>>
      %dma_start3A_80 = tpu.memref_squeeze %dma_start3A_79 : memref<1x80xi32, #tpu.memory_space<vmem>> -> memref<80xi32, #tpu.memory_space<vmem>>
      %dma_start3A_81 = arith.constant 0 : i32
      %dma_start3A_82 = arith.constant 0 : i32
      %dma_start3A_83 = tpu.memref_slice %arg8[%dma_start3A_81, %dma_start3A_82] : memref<10112x128xf32, #tpu.memory_space<vmem_shared>> -> memref<10112x128xf32, #tpu.memory_space<vmem_shared>>
      tpu.enqueue_indirect_dma source(%arg12 : memref<80x128xf32, #tpu.memory_space<vmem>>) target(%dma_start3A_83 : memref<10112x128xf32, #tpu.memory_space<vmem_shared>>) offsets(%dma_start3A_80 : memref<80xi32, #tpu.memory_space<vmem>>) semaphore(%arg14 : memref<!tpu.dma_semaphore, #tpu.memory_space<semaphore_mem>>) {add = true}
      %dma_wait3A_84 = arith.constant 0 : i32
      %dma_wait3A_85 = arith.constant 0 : i32
      %dma_wait3A_86 = tpu.memref_slice %arg10[%dma_wait3A_84, %dma_wait3A_85] : memref<125x80xi32, #tpu.memory_space<vmem>> -> memref<1x80xi32, #tpu.memory_space<vmem>>
      %dma_wait3A_87 = tpu.memref_squeeze %dma_wait3A_86 : memref<1x80xi32, #tpu.memory_space<vmem>> -> memref<80xi32, #tpu.memory_space<vmem>>
      %dma_wait3A_88 = arith.constant 0 : i32
      %dma_wait3A_89 = arith.constant 0 : i32
      %dma_wait3A_90 = tpu.memref_slice %arg8[%dma_wait3A_88, %dma_wait3A_89] : memref<10112x128xf32, #tpu.memory_space<vmem_shared>> -> memref<10112x128xf32, #tpu.memory_space<vmem_shared>>
      tpu.wait_indirect_dma semaphore(%arg14 : memref<!tpu.dma_semaphore, #tpu.memory_space<semaphore_mem>>) src(%arg12 : memref<80x128xf32, #tpu.memory_space<vmem>>) dst(%dma_wait3A_90 : memref<10112x128xf32, #tpu.memory_space<vmem_shared>>)
    }
    %scan3A_12 = arith.constant 62 : i32
    %dma_wait3A = arith.constant 0 : i32
    %dma_wait3A_13 = arith.constant 0 : i32
    %dma_wait3A_14 = tpu.memref_slice %arg5[%dma_wait3A, %dma_wait3A_13] : memref<10112x128xf32, #tpu.memory_space<hbm>> -> memref<80x128xf32, #tpu.memory_space<hbm>>
    %dma_wait3A_15 = arith.constant 0 : i32
    %dma_wait3A_16 = arith.constant 0 : i32
    %dma_wait3A_17 = tpu.memref_slice %arg5[%dma_wait3A_15, %dma_wait3A_16] : memref<10112x128xf32, #tpu.memory_space<hbm>> -> memref<80x128xf32, #tpu.memory_space<hbm>>
    tpu.wait_dma2 semaphore(%arg13 : memref<!tpu.dma_semaphore, #tpu.memory_space<semaphore_mem>>) src(%dma_wait3A_17 : memref<80x128xf32, #tpu.memory_space<hbm>>) dst(%arg11 : memref<80x128xf32, #tpu.memory_space<vmem>>)
    %dma_start3A_18 = arith.constant 124 : i32
    %dma_start3A_19 = arith.constant 0 : i32
    %dma_start3A_20 = tpu.memref_slice %arg10[%dma_start3A_18, %dma_start3A_19] : memref<125x80xi32, #tpu.memory_space<vmem>> -> memref<1x80xi32, #tpu.memory_space<vmem>>
    %dma_start3A_21 = tpu.memref_squeeze %dma_start3A_20 : memref<1x80xi32, #tpu.memory_space<vmem>> -> memref<80xi32, #tpu.memory_space<vmem>>
    %dma_start3A_22 = arith.constant 0 : i32
    %dma_start3A_23 = arith.constant 0 : i32
    %dma_start3A_24 = tpu.memref_slice %arg8[%dma_start3A_22, %dma_start3A_23] : memref<10112x128xf32, #tpu.memory_space<vmem_shared>> -> memref<10112x128xf32, #tpu.memory_space<vmem_shared>>
    tpu.enqueue_indirect_dma source(%arg11 : memref<80x128xf32, #tpu.memory_space<vmem>>) target(%dma_start3A_24 : memref<10112x128xf32, #tpu.memory_space<vmem_shared>>) offsets(%dma_start3A_21 : memref<80xi32, #tpu.memory_space<vmem>>) semaphore(%arg14 : memref<!tpu.dma_semaphore, #tpu.memory_space<semaphore_mem>>) {add = true}
    %dma_wait3A_25 = arith.constant 0 : i32
    %dma_wait3A_26 = arith.constant 0 : i32
    %dma_wait3A_27 = tpu.memref_slice %arg10[%dma_wait3A_25, %dma_wait3A_26] : memref<125x80xi32, #tpu.memory_space<vmem>> -> memref<1x80xi32, #tpu.memory_space<vmem>>
    %dma_wait3A_28 = tpu.memref_squeeze %dma_wait3A_27 : memref<1x80xi32, #tpu.memory_space<vmem>> -> memref<80xi32, #tpu.memory_space<vmem>>
    %dma_wait3A_29 = arith.constant 0 : i32
    %dma_wait3A_30 = arith.constant 0 : i32
    %dma_wait3A_31 = tpu.memref_slice %arg8[%dma_wait3A_29, %dma_wait3A_30] : memref<10112x128xf32, #tpu.memory_space<vmem_shared>> -> memref<10112x128xf32, #tpu.memory_space<vmem_shared>>
    tpu.wait_indirect_dma semaphore(%arg14 : memref<!tpu.dma_semaphore, #tpu.memory_space<semaphore_mem>>) src(%arg11 : memref<80x128xf32, #tpu.memory_space<vmem>>) dst(%dma_wait3A_31 : memref<10112x128xf32, #tpu.memory_space<vmem_shared>>)
    %barrier3A_32 = arith.constant 0 : index
    tpu.barrier barrier_id(%barrier3A_32)
    %mul3A_33 = arith.constant 632 : i32
    %mul3A_34 = arith.muli %arg1, %mul3A_33 : i32
    %mul3A_35 = arith.constant 10112 : i32
    %mul3A_36 = arith.muli %arg0, %mul3A_35 : i32
    %add3A_37 = arith.addi %mul3A_36, %mul3A_34 : i32
    "tpu.region"() ({
      %run_scoped3A = tpu.sem_alloc : memref<!tpu.dma_semaphore, #tpu.memory_space<semaphore_mem>>
      %dma_start3A_38 = arith.constant 0 : i32
      %dma_start3A_39 = tpu.memref_slice %arg7[%add3A_37, %dma_start3A_38] : memref<20224x128xf32, #tpu.memory_space<hbm>> -> memref<632x128xf32, #tpu.memory_space<hbm>>
      %dma_start3A_40 = arith.constant 0 : i32
      %dma_start3A_41 = tpu.memref_slice %arg8[%mul3A_34, %dma_start3A_40] : memref<10112x128xf32, #tpu.memory_space<vmem_shared>> -> memref<632x128xf32, #tpu.memory_space<vmem_shared>>
      tpu.enqueue_dma source(%dma_start3A_41 : memref<632x128xf32, #tpu.memory_space<vmem_shared>>) target(%dma_start3A_39 : memref<632x128xf32, #tpu.memory_space<hbm>>) target_semaphore(%run_scoped3A : memref<!tpu.dma_semaphore, #tpu.memory_space<semaphore_mem>>)
      %dma_wait3A_42 = arith.constant 0 : i32
      %dma_wait3A_43 = tpu.memref_slice %arg7[%add3A_37, %dma_wait3A_42] : memref<20224x128xf32, #tpu.memory_space<hbm>> -> memref<632x128xf32, #tpu.memory_space<hbm>>
      %dma_wait3A_44 = arith.constant 0 : i32
      %dma_wait3A_45 = tpu.memref_slice %arg8[%mul3A_34, %dma_wait3A_44] : memref<10112x128xf32, #tpu.memory_space<vmem_shared>> -> memref<632x128xf32, #tpu.memory_space<vmem_shared>>
      tpu.wait_dma2 semaphore(%run_scoped3A : memref<!tpu.dma_semaphore, #tpu.memory_space<semaphore_mem>>) src(%dma_wait3A_45 : memref<632x128xf32, #tpu.memory_space<vmem_shared>>) dst(%dma_wait3A_43 : memref<632x128xf32, #tpu.memory_space<hbm>>)
      tpu.yield
    }) : () -> ()
    return
  }
}

#map = affine_map<(d0, d1) -> (0, 0)>
#map1 = affine_map<(d0, d1) -> (0, 0, 0)>
module attributes {stable_mosaic.version = 14 : i64} {
  func.func @body(%arg0: i32, %arg1: i32, %arg2: memref<10112x128xf32, #tpu.memory_space<hbm>>, %arg3: memref<32x10000xi32, #tpu.memory_space<hbm>>, %arg4: memref<32x125x80xi32, #tpu.memory_space<hbm>>, %arg5: memref<10112x128xf32, #tpu.memory_space<hbm>>, %arg6: memref<1x10112xf32, #tpu.memory_space<hbm>>, %arg7: memref<20224x128xf32, #tpu.memory_space<hbm>>, %arg8: memref<2x10112xf32, #tpu.memory_space<hbm>>, %arg9: memref<10112x128xf32, #tpu.memory_space<vmem_shared>>, %arg10: memref<10000xi32, #tpu.memory_space<vmem>>, %arg11: memref<125x80xi32, #tpu.memory_space<vmem>>, %arg12: memref<80x128xf32, #tpu.memory_space<vmem>>, %arg13: memref<80x128xf32, #tpu.memory_space<vmem>>, %arg14: memref<!tpu.dma_semaphore, #tpu.memory_space<semaphore_mem>>, %arg15: memref<!tpu.dma_semaphore, #tpu.memory_space<semaphore_mem>>, %arg16: memref<10112xf32, #tpu.memory_space<vmem_shared>>, %arg17: memref<80xf32, #tpu.memory_space<vmem>>) attributes {dimension_semantics = [#tpu.dimension_semantics<core_parallel>, #tpu.dimension_semantics<subcore_parallel>], iteration_bounds = array<i64: 2, 16>, scalar_prefetch = 0 : i64, scratch_operands = 9 : i64, tpu.core_type = #tpu.core_type<sc_vector_subcore>, window_params = [{transform_indices = #map}, {transform_indices = #map}, {transform_indices = #map1}, {transform_indices = #map}, {transform_indices = #map}, {transform_indices = #map}, {transform_indices = #map}]} {
    %mul3A = arith.constant 16 : i32
    %mul3A_0 = arith.muli %arg0, %mul3A : i32
    %add3A = arith.addi %mul3A_0, %arg1 : i32
    "tpu.region"() ({
      %run_scoped3A_73 = tpu.sem_alloc : memref<!tpu.dma_semaphore, #tpu.memory_space<semaphore_mem>>
      %dma_start3A_74 = arith.constant 0 : i32
      %dma_start3A_75 = tpu.memref_slice %arg3[%add3A, %dma_start3A_74] : memref<32x10000xi32, #tpu.memory_space<hbm>> -> memref<1x10000xi32, #tpu.memory_space<hbm>>
      %dma_start3A_76 = tpu.memref_squeeze %dma_start3A_75 : memref<1x10000xi32, #tpu.memory_space<hbm>> -> memref<10000xi32, #tpu.memory_space<hbm>>
      %dma_start3A_77 = arith.constant 0 : i32
      %dma_start3A_78 = tpu.memref_slice %arg3[%add3A, %dma_start3A_77] : memref<32x10000xi32, #tpu.memory_space<hbm>> -> memref<1x10000xi32, #tpu.memory_space<hbm>>
      %dma_start3A_79 = tpu.memref_squeeze %dma_start3A_78 : memref<1x10000xi32, #tpu.memory_space<hbm>> -> memref<10000xi32, #tpu.memory_space<hbm>>
      tpu.enqueue_dma source(%dma_start3A_79 : memref<10000xi32, #tpu.memory_space<hbm>>) target(%arg10 : memref<10000xi32, #tpu.memory_space<vmem>>) target_semaphore(%run_scoped3A_73 : memref<!tpu.dma_semaphore, #tpu.memory_space<semaphore_mem>>)
      %dma_wait3A_80 = arith.constant 0 : i32
      %dma_wait3A_81 = tpu.memref_slice %arg3[%add3A, %dma_wait3A_80] : memref<32x10000xi32, #tpu.memory_space<hbm>> -> memref<1x10000xi32, #tpu.memory_space<hbm>>
      %dma_wait3A_82 = tpu.memref_squeeze %dma_wait3A_81 : memref<1x10000xi32, #tpu.memory_space<hbm>> -> memref<10000xi32, #tpu.memory_space<hbm>>
      %dma_wait3A_83 = arith.constant 0 : i32
      %dma_wait3A_84 = tpu.memref_slice %arg3[%add3A, %dma_wait3A_83] : memref<32x10000xi32, #tpu.memory_space<hbm>> -> memref<1x10000xi32, #tpu.memory_space<hbm>>
      %dma_wait3A_85 = tpu.memref_squeeze %dma_wait3A_84 : memref<1x10000xi32, #tpu.memory_space<hbm>> -> memref<10000xi32, #tpu.memory_space<hbm>>
      tpu.wait_dma2 semaphore(%run_scoped3A_73 : memref<!tpu.dma_semaphore, #tpu.memory_space<semaphore_mem>>) src(%dma_wait3A_85 : memref<10000xi32, #tpu.memory_space<hbm>>) dst(%arg10 : memref<10000xi32, #tpu.memory_space<vmem>>)
      tpu.yield
    }) : () -> ()
    "tpu.region"() ({
      %run_scoped3A_73 = tpu.sem_alloc : memref<!tpu.dma_semaphore, #tpu.memory_space<semaphore_mem>>
      %dma_start3A_74 = arith.constant 0 : i32
      %dma_start3A_75 = arith.constant 0 : i32
      %dma_start3A_76 = tpu.memref_slice %arg4[%add3A, %dma_start3A_74, %dma_start3A_75] : memref<32x125x80xi32, #tpu.memory_space<hbm>> -> memref<1x125x80xi32, #tpu.memory_space<hbm>>
      %dma_start3A_77 = tpu.memref_squeeze %dma_start3A_76 : memref<1x125x80xi32, #tpu.memory_space<hbm>> -> memref<125x80xi32, #tpu.memory_space<hbm>>
      %dma_start3A_78 = arith.constant 0 : i32
      %dma_start3A_79 = arith.constant 0 : i32
      %dma_start3A_80 = tpu.memref_slice %arg4[%add3A, %dma_start3A_78, %dma_start3A_79] : memref<32x125x80xi32, #tpu.memory_space<hbm>> -> memref<1x125x80xi32, #tpu.memory_space<hbm>>
      %dma_start3A_81 = tpu.memref_squeeze %dma_start3A_80 : memref<1x125x80xi32, #tpu.memory_space<hbm>> -> memref<125x80xi32, #tpu.memory_space<hbm>>
      tpu.enqueue_dma source(%dma_start3A_81 : memref<125x80xi32, #tpu.memory_space<hbm>>) target(%arg11 : memref<125x80xi32, #tpu.memory_space<vmem>>) target_semaphore(%run_scoped3A_73 : memref<!tpu.dma_semaphore, #tpu.memory_space<semaphore_mem>>)
      %dma_wait3A_82 = arith.constant 0 : i32
      %dma_wait3A_83 = arith.constant 0 : i32
      %dma_wait3A_84 = tpu.memref_slice %arg4[%add3A, %dma_wait3A_82, %dma_wait3A_83] : memref<32x125x80xi32, #tpu.memory_space<hbm>> -> memref<1x125x80xi32, #tpu.memory_space<hbm>>
      %dma_wait3A_85 = tpu.memref_squeeze %dma_wait3A_84 : memref<1x125x80xi32, #tpu.memory_space<hbm>> -> memref<125x80xi32, #tpu.memory_space<hbm>>
      %dma_wait3A_86 = arith.constant 0 : i32
      %dma_wait3A_87 = arith.constant 0 : i32
      %dma_wait3A_88 = tpu.memref_slice %arg4[%add3A, %dma_wait3A_86, %dma_wait3A_87] : memref<32x125x80xi32, #tpu.memory_space<hbm>> -> memref<1x125x80xi32, #tpu.memory_space<hbm>>
      %dma_wait3A_89 = tpu.memref_squeeze %dma_wait3A_88 : memref<1x125x80xi32, #tpu.memory_space<hbm>> -> memref<125x80xi32, #tpu.memory_space<hbm>>
      tpu.wait_dma2 semaphore(%run_scoped3A_73 : memref<!tpu.dma_semaphore, #tpu.memory_space<semaphore_mem>>) src(%dma_wait3A_89 : memref<125x80xi32, #tpu.memory_space<hbm>>) dst(%arg11 : memref<125x80xi32, #tpu.memory_space<vmem>>)
      tpu.yield
    }) : () -> ()
    %dma_start3A = arith.constant 0 : i32
    %dma_start3A_1 = tpu.memref_slice %arg10[%dma_start3A] : memref<10000xi32, #tpu.memory_space<vmem>> -> memref<80xi32, #tpu.memory_space<vmem>>
    %dma_start3A_2 = arith.constant 0 : i32
    %dma_start3A_3 = arith.constant 0 : i32
    %dma_start3A_4 = tpu.memref_slice %arg2[%dma_start3A_2, %dma_start3A_3] : memref<10112x128xf32, #tpu.memory_space<hbm>> -> memref<10112x128xf32, #tpu.memory_space<hbm>>
    tpu.enqueue_indirect_dma source(%dma_start3A_4 : memref<10112x128xf32, #tpu.memory_space<hbm>>) target(%arg12 : memref<80x128xf32, #tpu.memory_space<vmem>>) offsets(%dma_start3A_1 : memref<80xi32, #tpu.memory_space<vmem>>) semaphore(%arg14 : memref<!tpu.dma_semaphore, #tpu.memory_space<semaphore_mem>>)
    %mul3A_5 = arith.constant 632 : i32
    %mul3A_6 = arith.muli %arg1, %mul3A_5 : i32
    %mul3A_7 = arith.constant 632 : i32
    %mul3A_8 = arith.muli %arg1, %mul3A_7 : i32
    "tpu.region"() ({
      %run_scoped3A_73 = tpu.sem_alloc : memref<!tpu.dma_semaphore, #tpu.memory_space<semaphore_mem>>
      %dma_start3A_74 = arith.constant 0 : i32
      %dma_start3A_75 = tpu.memref_slice %arg9[%mul3A_8, %dma_start3A_74] : memref<10112x128xf32, #tpu.memory_space<vmem_shared>> -> memref<632x128xf32, #tpu.memory_space<vmem_shared>>
      %dma_start3A_76 = arith.constant 0 : i32
      %dma_start3A_77 = tpu.memref_slice %arg5[%mul3A_6, %dma_start3A_76] : memref<10112x128xf32, #tpu.memory_space<hbm>> -> memref<632x128xf32, #tpu.memory_space<hbm>>
      tpu.enqueue_dma source(%dma_start3A_77 : memref<632x128xf32, #tpu.memory_space<hbm>>) target(%dma_start3A_75 : memref<632x128xf32, #tpu.memory_space<vmem_shared>>) target_semaphore(%run_scoped3A_73 : memref<!tpu.dma_semaphore, #tpu.memory_space<semaphore_mem>>)
      %dma_wait3A_78 = arith.constant 0 : i32
      %dma_wait3A_79 = tpu.memref_slice %arg9[%mul3A_8, %dma_wait3A_78] : memref<10112x128xf32, #tpu.memory_space<vmem_shared>> -> memref<632x128xf32, #tpu.memory_space<vmem_shared>>
      %dma_wait3A_80 = arith.constant 0 : i32
      %dma_wait3A_81 = tpu.memref_slice %arg5[%mul3A_6, %dma_wait3A_80] : memref<10112x128xf32, #tpu.memory_space<hbm>> -> memref<632x128xf32, #tpu.memory_space<hbm>>
      tpu.wait_dma2 semaphore(%run_scoped3A_73 : memref<!tpu.dma_semaphore, #tpu.memory_space<semaphore_mem>>) src(%dma_wait3A_81 : memref<632x128xf32, #tpu.memory_space<hbm>>) dst(%dma_wait3A_79 : memref<632x128xf32, #tpu.memory_space<vmem_shared>>)
      tpu.yield
    }) : () -> ()
    %broadcast_in_dim3A = arith.constant 1.000000e+00 : f32
    %broadcast_in_dim3A_9 = vector.broadcast %broadcast_in_dim3A : f32 to vector<16xf32>
    %swap3A = arith.constant 0 : index
    %swap3A_10 = tpu.vector_load %arg17[%swap3A] {strides = array<i32>} : memref<80xf32, #tpu.memory_space<vmem>>, vector<16xf32>,
    %swap3A_11 = vector.shape_cast %swap3A_10 : vector<16xf32> to vector<16xf32>
    %swap3A_12 = vector.shape_cast %broadcast_in_dim3A_9 : vector<16xf32> to vector<16xf32>
    tpu.vector_store %arg17[%swap3A], %swap3A_12 {strides = array<i32>} : memref<80xf32, #tpu.memory_space<vmem>>, vector<16xf32>,
    %broadcast_in_dim3A_13 = arith.constant 1.000000e+00 : f32
    %broadcast_in_dim3A_14 = vector.broadcast %broadcast_in_dim3A_13 : f32 to vector<16xf32>
    %swap3A_15 = arith.constant 16 : index
    %swap3A_16 = tpu.vector_load %arg17[%swap3A_15] {strides = array<i32>} : memref<80xf32, #tpu.memory_space<vmem>>, vector<16xf32>,
    %swap3A_17 = vector.shape_cast %swap3A_16 : vector<16xf32> to vector<16xf32>
    %swap3A_18 = vector.shape_cast %broadcast_in_dim3A_14 : vector<16xf32> to vector<16xf32>
    tpu.vector_store %arg17[%swap3A_15], %swap3A_18 {strides = array<i32>} : memref<80xf32, #tpu.memory_space<vmem>>, vector<16xf32>,
    %broadcast_in_dim3A_19 = arith.constant 1.000000e+00 : f32
    %broadcast_in_dim3A_20 = vector.broadcast %broadcast_in_dim3A_19 : f32 to vector<16xf32>
    %swap3A_21 = arith.constant 32 : index
    %swap3A_22 = tpu.vector_load %arg17[%swap3A_21] {strides = array<i32>} : memref<80xf32, #tpu.memory_space<vmem>>, vector<16xf32>,
    %swap3A_23 = vector.shape_cast %swap3A_22 : vector<16xf32> to vector<16xf32>
    %swap3A_24 = vector.shape_cast %broadcast_in_dim3A_20 : vector<16xf32> to vector<16xf32>
    tpu.vector_store %arg17[%swap3A_21], %swap3A_24 {strides = array<i32>} : memref<80xf32, #tpu.memory_space<vmem>>, vector<16xf32>,
    %broadcast_in_dim3A_25 = arith.constant 1.000000e+00 : f32
    %broadcast_in_dim3A_26 = vector.broadcast %broadcast_in_dim3A_25 : f32 to vector<16xf32>
    %swap3A_27 = arith.constant 48 : index
    %swap3A_28 = tpu.vector_load %arg17[%swap3A_27] {strides = array<i32>} : memref<80xf32, #tpu.memory_space<vmem>>, vector<16xf32>,
    %swap3A_29 = vector.shape_cast %swap3A_28 : vector<16xf32> to vector<16xf32>
    %swap3A_30 = vector.shape_cast %broadcast_in_dim3A_26 : vector<16xf32> to vector<16xf32>
    tpu.vector_store %arg17[%swap3A_27], %swap3A_30 {strides = array<i32>} : memref<80xf32, #tpu.memory_space<vmem>>, vector<16xf32>,
    %broadcast_in_dim3A_31 = arith.constant 1.000000e+00 : f32
    %broadcast_in_dim3A_32 = vector.broadcast %broadcast_in_dim3A_31 : f32 to vector<16xf32>
    %swap3A_33 = arith.constant 64 : index
    %swap3A_34 = tpu.vector_load %arg17[%swap3A_33] {strides = array<i32>} : memref<80xf32, #tpu.memory_space<vmem>>, vector<16xf32>,
    %swap3A_35 = vector.shape_cast %swap3A_34 : vector<16xf32> to vector<16xf32>
    %swap3A_36 = vector.shape_cast %broadcast_in_dim3A_32 : vector<16xf32> to vector<16xf32>
    tpu.vector_store %arg17[%swap3A_33], %swap3A_36 {strides = array<i32>} : memref<80xf32, #tpu.memory_space<vmem>>, vector<16xf32>,
    %eq3A = arith.constant 0 : i32
    %eq3A_37 = arith.cmpi eq, %arg1, %eq3A : i32
    %convert_element_type3A = arith.extui %eq3A_37 : i1 to i32
    %cond3A = arith.constant 0 : i32
    %cond3A_38 = arith.cmpi ne, %convert_element_type3A, %cond3A : i32
    scf.if %cond3A_38 {
      %run_scoped3A_73 = arith.constant 0 : i32
      "tpu.region"() ({
        %run_scoped3A_74 = tpu.sem_alloc : memref<!tpu.dma_semaphore, #tpu.memory_space<semaphore_mem>>
        %dma_start3A_75 = arith.constant 0 : i32
        %dma_start3A_76 = tpu.memref_slice %arg6[%run_scoped3A_73, %dma_start3A_75] : memref<1x10112xf32, #tpu.memory_space<hbm>> -> memref<1x10112xf32, #tpu.memory_space<hbm>>
        %dma_start3A_77 = tpu.memref_squeeze %dma_start3A_76 : memref<1x10112xf32, #tpu.memory_space<hbm>> -> memref<10112xf32, #tpu.memory_space<hbm>>
        tpu.enqueue_dma source(%dma_start3A_77 : memref<10112xf32, #tpu.memory_space<hbm>>) target(%arg16 : memref<10112xf32, #tpu.memory_space<vmem_shared>>) target_semaphore(%run_scoped3A_74 : memref<!tpu.dma_semaphore, #tpu.memory_space<semaphore_mem>>)
        %dma_wait3A_78 = arith.constant 0 : i32
        %dma_wait3A_79 = tpu.memref_slice %arg6[%run_scoped3A_73, %dma_wait3A_78] : memref<1x10112xf32, #tpu.memory_space<hbm>> -> memref<1x10112xf32, #tpu.memory_space<hbm>>
        %dma_wait3A_80 = tpu.memref_squeeze %dma_wait3A_79 : memref<1x10112xf32, #tpu.memory_space<hbm>> -> memref<10112xf32, #tpu.memory_space<hbm>>
        tpu.wait_dma2 semaphore(%run_scoped3A_74 : memref<!tpu.dma_semaphore, #tpu.memory_space<semaphore_mem>>) src(%dma_wait3A_80 : memref<10112xf32, #tpu.memory_space<hbm>>) dst(%arg16 : memref<10112xf32, #tpu.memory_space<vmem_shared>>)
        tpu.yield
      }) : () -> ()
    } else {
    }
    %barrier3A = arith.constant 0 : index
    tpu.barrier barrier_id(%barrier3A)
    %scan3A = arith.constant 0 : i32
    %scan3A_39 = arith.constant 62 : i32
    %scan3A_40 = arith.addi %scan3A, %scan3A_39 : i32
    %scan3A_41 = arith.constant 1 : i32
    scf.for %scan3A_73 = %scan3A to %scan3A_40 step %scan3A_41  : i32 {
      %mul3A_74 = arith.constant 2 : i32
      %mul3A_75 = arith.muli %mul3A_74, %scan3A_73 : i32
      %add3A_76 = arith.constant 1 : i32
      %add3A_77 = arith.addi %mul3A_75, %add3A_76 : i32
      %add3A_78 = arith.constant 2 : i32
      %add3A_79 = arith.addi %mul3A_75, %add3A_78 : i32
      %dma_wait3A_80 = arith.constant 0 : i32
      %dma_wait3A_81 = arith.constant 0 : i32
      %dma_wait3A_82 = tpu.memref_slice %arg5[%dma_wait3A_80, %dma_wait3A_81] : memref<10112x128xf32, #tpu.memory_space<hbm>> -> memref<80x128xf32, #tpu.memory_space<hbm>>
      %dma_wait3A_83 = arith.constant 0 : i32
      %dma_wait3A_84 = arith.constant 0 : i32
      %dma_wait3A_85 = tpu.memref_slice %arg5[%dma_wait3A_83, %dma_wait3A_84] : memref<10112x128xf32, #tpu.memory_space<hbm>> -> memref<80x128xf32, #tpu.memory_space<hbm>>
      tpu.wait_dma2 semaphore(%arg14 : memref<!tpu.dma_semaphore, #tpu.memory_space<semaphore_mem>>) src(%dma_wait3A_85 : memref<80x128xf32, #tpu.memory_space<hbm>>) dst(%arg12 : memref<80x128xf32, #tpu.memory_space<vmem>>)
      %mul3A_86 = arith.constant 80 : i32
      %mul3A_87 = arith.muli %add3A_77, %mul3A_86 : i32
      %dma_start3A_88 = tpu.memref_slice %arg10[%mul3A_87] : memref<10000xi32, #tpu.memory_space<vmem>> -> memref<80xi32, #tpu.memory_space<vmem>>
      %dma_start3A_89 = arith.constant 0 : i32
      %dma_start3A_90 = arith.constant 0 : i32
      %dma_start3A_91 = tpu.memref_slice %arg2[%dma_start3A_89, %dma_start3A_90] : memref<10112x128xf32, #tpu.memory_space<hbm>> -> memref<10112x128xf32, #tpu.memory_space<hbm>>
      tpu.enqueue_indirect_dma source(%dma_start3A_91 : memref<10112x128xf32, #tpu.memory_space<hbm>>) target(%arg13 : memref<80x128xf32, #tpu.memory_space<vmem>>) offsets(%dma_start3A_88 : memref<80xi32, #tpu.memory_space<vmem>>) semaphore(%arg14 : memref<!tpu.dma_semaphore, #tpu.memory_space<semaphore_mem>>)
      %dma_start3A_92 = arith.constant 0 : i32
      %dma_start3A_93 = tpu.memref_slice %arg11[%mul3A_75, %dma_start3A_92] : memref<125x80xi32, #tpu.memory_space<vmem>> -> memref<1x80xi32, #tpu.memory_space<vmem>>
      %dma_start3A_94 = tpu.memref_squeeze %dma_start3A_93 : memref<1x80xi32, #tpu.memory_space<vmem>> -> memref<80xi32, #tpu.memory_space<vmem>>
      %dma_start3A_95 = arith.constant 0 : i32
      %dma_start3A_96 = arith.constant 0 : i32
      %dma_start3A_97 = tpu.memref_slice %arg9[%dma_start3A_95, %dma_start3A_96] : memref<10112x128xf32, #tpu.memory_space<vmem_shared>> -> memref<10112x128xf32, #tpu.memory_space<vmem_shared>>
      tpu.enqueue_indirect_dma source(%arg12 : memref<80x128xf32, #tpu.memory_space<vmem>>) target(%dma_start3A_97 : memref<10112x128xf32, #tpu.memory_space<vmem_shared>>) offsets(%dma_start3A_94 : memref<80xi32, #tpu.memory_space<vmem>>) semaphore(%arg15 : memref<!tpu.dma_semaphore, #tpu.memory_space<semaphore_mem>>) {add = true}
      "tpu.region"() ({
        %run_scoped3A_128 = tpu.sem_alloc : memref<!tpu.dma_semaphore, #tpu.memory_space<semaphore_mem>>
        %dma_start3A_129 = arith.constant 0 : i32
        %dma_start3A_130 = tpu.memref_slice %arg11[%mul3A_75, %dma_start3A_129] : memref<125x80xi32, #tpu.memory_space<vmem>> -> memref<1x80xi32, #tpu.memory_space<vmem>>
        %dma_start3A_131 = tpu.memref_squeeze %dma_start3A_130 : memref<1x80xi32, #tpu.memory_space<vmem>> -> memref<80xi32, #tpu.memory_space<vmem>>
        %dma_start3A_132 = arith.constant 0 : i32
        %dma_start3A_133 = tpu.memref_slice %arg16[%dma_start3A_132] : memref<10112xf32, #tpu.memory_space<vmem_shared>> -> memref<10112xf32, #tpu.memory_space<vmem_shared>>
        tpu.enqueue_indirect_dma source(%arg17 : memref<80xf32, #tpu.memory_space<vmem>>) target(%dma_start3A_133 : memref<10112xf32, #tpu.memory_space<vmem_shared>>) offsets(%dma_start3A_131 : memref<80xi32, #tpu.memory_space<vmem>>) semaphore(%run_scoped3A_128 : memref<!tpu.dma_semaphore, #tpu.memory_space<semaphore_mem>>) {add = true}
        %dma_wait3A_134 = arith.constant 0 : i32
        %dma_wait3A_135 = tpu.memref_slice %arg11[%mul3A_75, %dma_wait3A_134] : memref<125x80xi32, #tpu.memory_space<vmem>> -> memref<1x80xi32, #tpu.memory_space<vmem>>
        %dma_wait3A_136 = tpu.memref_squeeze %dma_wait3A_135 : memref<1x80xi32, #tpu.memory_space<vmem>> -> memref<80xi32, #tpu.memory_space<vmem>>
        %dma_wait3A_137 = arith.constant 0 : i32
        %dma_wait3A_138 = tpu.memref_slice %arg16[%dma_wait3A_137] : memref<10112xf32, #tpu.memory_space<vmem_shared>> -> memref<10112xf32, #tpu.memory_space<vmem_shared>>
        tpu.wait_indirect_dma semaphore(%run_scoped3A_128 : memref<!tpu.dma_semaphore, #tpu.memory_space<semaphore_mem>>) src(%arg17 : memref<80xf32, #tpu.memory_space<vmem>>) dst(%dma_wait3A_138 : memref<10112xf32, #tpu.memory_space<vmem_shared>>)
        tpu.yield
      }) : () -> ()
      %dma_wait3A_98 = arith.constant 0 : i32
      %dma_wait3A_99 = arith.constant 0 : i32
      %dma_wait3A_100 = tpu.memref_slice %arg5[%dma_wait3A_98, %dma_wait3A_99] : memref<10112x128xf32, #tpu.memory_space<hbm>> -> memref<80x128xf32, #tpu.memory_space<hbm>>
      %dma_wait3A_101 = arith.constant 0 : i32
      %dma_wait3A_102 = arith.constant 0 : i32
      %dma_wait3A_103 = tpu.memref_slice %arg5[%dma_wait3A_101, %dma_wait3A_102] : memref<10112x128xf32, #tpu.memory_space<hbm>> -> memref<80x128xf32, #tpu.memory_space<hbm>>
      tpu.wait_dma2 semaphore(%arg14 : memref<!tpu.dma_semaphore, #tpu.memory_space<semaphore_mem>>) src(%dma_wait3A_103 : memref<80x128xf32, #tpu.memory_space<hbm>>) dst(%arg13 : memref<80x128xf32, #tpu.memory_space<vmem>>)
      %dma_wait3A_104 = arith.constant 0 : i32
      %dma_wait3A_105 = arith.constant 0 : i32
      %dma_wait3A_106 = tpu.memref_slice %arg11[%dma_wait3A_104, %dma_wait3A_105] : memref<125x80xi32, #tpu.memory_space<vmem>> -> memref<1x80xi32, #tpu.memory_space<vmem>>
      %dma_wait3A_107 = tpu.memref_squeeze %dma_wait3A_106 : memref<1x80xi32, #tpu.memory_space<vmem>> -> memref<80xi32, #tpu.memory_space<vmem>>
      %dma_wait3A_108 = arith.constant 0 : i32
      %dma_wait3A_109 = arith.constant 0 : i32
      %dma_wait3A_110 = tpu.memref_slice %arg9[%dma_wait3A_108, %dma_wait3A_109] : memref<10112x128xf32, #tpu.memory_space<vmem_shared>> -> memref<10112x128xf32, #tpu.memory_space<vmem_shared>>
      tpu.wait_indirect_dma semaphore(%arg15 : memref<!tpu.dma_semaphore, #tpu.memory_space<semaphore_mem>>) src(%arg12 : memref<80x128xf32, #tpu.memory_space<vmem>>) dst(%dma_wait3A_110 : memref<10112x128xf32, #tpu.memory_space<vmem_shared>>)
      %lt3A = arith.constant 125 : i32
      %lt3A_111 = arith.cmpi slt, %add3A_79, %lt3A : i32
      %convert_element_type3A_112 = arith.extui %lt3A_111 : i1 to i32
      %cond3A_113 = arith.constant 0 : i32
      %cond3A_114 = arith.cmpi ne, %convert_element_type3A_112, %cond3A_113 : i32
      scf.if %cond3A_114 {
        %mul3A_128 = arith.constant 80 : i32
        %mul3A_129 = arith.muli %add3A_79, %mul3A_128 : i32
        %dma_start3A_130 = tpu.memref_slice %arg10[%mul3A_129] : memref<10000xi32, #tpu.memory_space<vmem>> -> memref<80xi32, #tpu.memory_space<vmem>>
        %dma_start3A_131 = arith.constant 0 : i32
        %dma_start3A_132 = arith.constant 0 : i32
        %dma_start3A_133 = tpu.memref_slice %arg2[%dma_start3A_131, %dma_start3A_132] : memref<10112x128xf32, #tpu.memory_space<hbm>> -> memref<10112x128xf32, #tpu.memory_space<hbm>>
        tpu.enqueue_indirect_dma source(%dma_start3A_133 : memref<10112x128xf32, #tpu.memory_space<hbm>>) target(%arg12 : memref<80x128xf32, #tpu.memory_space<vmem>>) offsets(%dma_start3A_130 : memref<80xi32, #tpu.memory_space<vmem>>) semaphore(%arg14 : memref<!tpu.dma_semaphore, #tpu.memory_space<semaphore_mem>>)
      } else {
      }
      %dma_start3A_115 = arith.constant 0 : i32
      %dma_start3A_116 = tpu.memref_slice %arg11[%add3A_77, %dma_start3A_115] : memref<125x80xi32, #tpu.memory_space<vmem>> -> memref<1x80xi32, #tpu.memory_space<vmem>>
      %dma_start3A_117 = tpu.memref_squeeze %dma_start3A_116 : memref<1x80xi32, #tpu.memory_space<vmem>> -> memref<80xi32, #tpu.memory_space<vmem>>
      %dma_start3A_118 = arith.constant 0 : i32
      %dma_start3A_119 = arith.constant 0 : i32
      %dma_start3A_120 = tpu.memref_slice %arg9[%dma_start3A_118, %dma_start3A_119] : memref<10112x128xf32, #tpu.memory_space<vmem_shared>> -> memref<10112x128xf32, #tpu.memory_space<vmem_shared>>
      tpu.enqueue_indirect_dma source(%arg13 : memref<80x128xf32, #tpu.memory_space<vmem>>) target(%dma_start3A_120 : memref<10112x128xf32, #tpu.memory_space<vmem_shared>>) offsets(%dma_start3A_117 : memref<80xi32, #tpu.memory_space<vmem>>) semaphore(%arg15 : memref<!tpu.dma_semaphore, #tpu.memory_space<semaphore_mem>>) {add = true}
      "tpu.region"() ({
        %run_scoped3A_128 = tpu.sem_alloc : memref<!tpu.dma_semaphore, #tpu.memory_space<semaphore_mem>>
        %dma_start3A_129 = arith.constant 0 : i32
        %dma_start3A_130 = tpu.memref_slice %arg11[%add3A_77, %dma_start3A_129] : memref<125x80xi32, #tpu.memory_space<vmem>> -> memref<1x80xi32, #tpu.memory_space<vmem>>
        %dma_start3A_131 = tpu.memref_squeeze %dma_start3A_130 : memref<1x80xi32, #tpu.memory_space<vmem>> -> memref<80xi32, #tpu.memory_space<vmem>>
        %dma_start3A_132 = arith.constant 0 : i32
        %dma_start3A_133 = tpu.memref_slice %arg16[%dma_start3A_132] : memref<10112xf32, #tpu.memory_space<vmem_shared>> -> memref<10112xf32, #tpu.memory_space<vmem_shared>>
        tpu.enqueue_indirect_dma source(%arg17 : memref<80xf32, #tpu.memory_space<vmem>>) target(%dma_start3A_133 : memref<10112xf32, #tpu.memory_space<vmem_shared>>) offsets(%dma_start3A_131 : memref<80xi32, #tpu.memory_space<vmem>>) semaphore(%run_scoped3A_128 : memref<!tpu.dma_semaphore, #tpu.memory_space<semaphore_mem>>) {add = true}
        %dma_wait3A_134 = arith.constant 0 : i32
        %dma_wait3A_135 = tpu.memref_slice %arg11[%add3A_77, %dma_wait3A_134] : memref<125x80xi32, #tpu.memory_space<vmem>> -> memref<1x80xi32, #tpu.memory_space<vmem>>
        %dma_wait3A_136 = tpu.memref_squeeze %dma_wait3A_135 : memref<1x80xi32, #tpu.memory_space<vmem>> -> memref<80xi32, #tpu.memory_space<vmem>>
        %dma_wait3A_137 = arith.constant 0 : i32
        %dma_wait3A_138 = tpu.memref_slice %arg16[%dma_wait3A_137] : memref<10112xf32, #tpu.memory_space<vmem_shared>> -> memref<10112xf32, #tpu.memory_space<vmem_shared>>
        tpu.wait_indirect_dma semaphore(%run_scoped3A_128 : memref<!tpu.dma_semaphore, #tpu.memory_space<semaphore_mem>>) src(%arg17 : memref<80xf32, #tpu.memory_space<vmem>>) dst(%dma_wait3A_138 : memref<10112xf32, #tpu.memory_space<vmem_shared>>)
        tpu.yield
      }) : () -> ()
      %dma_wait3A_121 = arith.constant 0 : i32
      %dma_wait3A_122 = arith.constant 0 : i32
      %dma_wait3A_123 = tpu.memref_slice %arg11[%dma_wait3A_121, %dma_wait3A_122] : memref<125x80xi32, #tpu.memory_space<vmem>> -> memref<1x80xi32, #tpu.memory_space<vmem>>
      %dma_wait3A_124 = tpu.memref_squeeze %dma_wait3A_123 : memref<1x80xi32, #tpu.memory_space<vmem>> -> memref<80xi32, #tpu.memory_space<vmem>>
      %dma_wait3A_125 = arith.constant 0 : i32
      %dma_wait3A_126 = arith.constant 0 : i32
      %dma_wait3A_127 = tpu.memref_slice %arg9[%dma_wait3A_125, %dma_wait3A_126] : memref<10112x128xf32, #tpu.memory_space<vmem_shared>> -> memref<10112x128xf32, #tpu.memory_space<vmem_shared>>
      tpu.wait_indirect_dma semaphore(%arg15 : memref<!tpu.dma_semaphore, #tpu.memory_space<semaphore_mem>>) src(%arg13 : memref<80x128xf32, #tpu.memory_space<vmem>>) dst(%dma_wait3A_127 : memref<10112x128xf32, #tpu.memory_space<vmem_shared>>)
    }
    %scan3A_42 = arith.constant 62 : i32
    %dma_wait3A = arith.constant 0 : i32
    %dma_wait3A_43 = arith.constant 0 : i32
    %dma_wait3A_44 = tpu.memref_slice %arg5[%dma_wait3A, %dma_wait3A_43] : memref<10112x128xf32, #tpu.memory_space<hbm>> -> memref<80x128xf32, #tpu.memory_space<hbm>>
    %dma_wait3A_45 = arith.constant 0 : i32
    %dma_wait3A_46 = arith.constant 0 : i32
    %dma_wait3A_47 = tpu.memref_slice %arg5[%dma_wait3A_45, %dma_wait3A_46] : memref<10112x128xf32, #tpu.memory_space<hbm>> -> memref<80x128xf32, #tpu.memory_space<hbm>>
    tpu.wait_dma2 semaphore(%arg14 : memref<!tpu.dma_semaphore, #tpu.memory_space<semaphore_mem>>) src(%dma_wait3A_47 : memref<80x128xf32, #tpu.memory_space<hbm>>) dst(%arg12 : memref<80x128xf32, #tpu.memory_space<vmem>>)
    %dma_start3A_48 = arith.constant 124 : i32
    %dma_start3A_49 = arith.constant 0 : i32
    %dma_start3A_50 = tpu.memref_slice %arg11[%dma_start3A_48, %dma_start3A_49] : memref<125x80xi32, #tpu.memory_space<vmem>> -> memref<1x80xi32, #tpu.memory_space<vmem>>
    %dma_start3A_51 = tpu.memref_squeeze %dma_start3A_50 : memref<1x80xi32, #tpu.memory_space<vmem>> -> memref<80xi32, #tpu.memory_space<vmem>>
    %dma_start3A_52 = arith.constant 0 : i32
    %dma_start3A_53 = arith.constant 0 : i32
    %dma_start3A_54 = tpu.memref_slice %arg9[%dma_start3A_52, %dma_start3A_53] : memref<10112x128xf32, #tpu.memory_space<vmem_shared>> -> memref<10112x128xf32, #tpu.memory_space<vmem_shared>>
    tpu.enqueue_indirect_dma source(%arg12 : memref<80x128xf32, #tpu.memory_space<vmem>>) target(%dma_start3A_54 : memref<10112x128xf32, #tpu.memory_space<vmem_shared>>) offsets(%dma_start3A_51 : memref<80xi32, #tpu.memory_space<vmem>>) semaphore(%arg15 : memref<!tpu.dma_semaphore, #tpu.memory_space<semaphore_mem>>) {add = true}
    %run_scoped3A = arith.constant 124 : i32
    "tpu.region"() ({
      %run_scoped3A_73 = tpu.sem_alloc : memref<!tpu.dma_semaphore, #tpu.memory_space<semaphore_mem>>
      %dma_start3A_74 = arith.constant 0 : i32
      %dma_start3A_75 = tpu.memref_slice %arg11[%run_scoped3A, %dma_start3A_74] : memref<125x80xi32, #tpu.memory_space<vmem>> -> memref<1x80xi32, #tpu.memory_space<vmem>>
      %dma_start3A_76 = tpu.memref_squeeze %dma_start3A_75 : memref<1x80xi32, #tpu.memory_space<vmem>> -> memref<80xi32, #tpu.memory_space<vmem>>
      %dma_start3A_77 = arith.constant 0 : i32
      %dma_start3A_78 = tpu.memref_slice %arg16[%dma_start3A_77] : memref<10112xf32, #tpu.memory_space<vmem_shared>> -> memref<10112xf32, #tpu.memory_space<vmem_shared>>
      tpu.enqueue_indirect_dma source(%arg17 : memref<80xf32, #tpu.memory_space<vmem>>) target(%dma_start3A_78 : memref<10112xf32, #tpu.memory_space<vmem_shared>>) offsets(%dma_start3A_76 : memref<80xi32, #tpu.memory_space<vmem>>) semaphore(%run_scoped3A_73 : memref<!tpu.dma_semaphore, #tpu.memory_space<semaphore_mem>>) {add = true}
      %dma_wait3A_79 = arith.constant 0 : i32
      %dma_wait3A_80 = tpu.memref_slice %arg11[%run_scoped3A, %dma_wait3A_79] : memref<125x80xi32, #tpu.memory_space<vmem>> -> memref<1x80xi32, #tpu.memory_space<vmem>>
      %dma_wait3A_81 = tpu.memref_squeeze %dma_wait3A_80 : memref<1x80xi32, #tpu.memory_space<vmem>> -> memref<80xi32, #tpu.memory_space<vmem>>
      %dma_wait3A_82 = arith.constant 0 : i32
      %dma_wait3A_83 = tpu.memref_slice %arg16[%dma_wait3A_82] : memref<10112xf32, #tpu.memory_space<vmem_shared>> -> memref<10112xf32, #tpu.memory_space<vmem_shared>>
      tpu.wait_indirect_dma semaphore(%run_scoped3A_73 : memref<!tpu.dma_semaphore, #tpu.memory_space<semaphore_mem>>) src(%arg17 : memref<80xf32, #tpu.memory_space<vmem>>) dst(%dma_wait3A_83 : memref<10112xf32, #tpu.memory_space<vmem_shared>>)
      tpu.yield
    }) : () -> ()
    %dma_wait3A_55 = arith.constant 0 : i32
    %dma_wait3A_56 = arith.constant 0 : i32
    %dma_wait3A_57 = tpu.memref_slice %arg11[%dma_wait3A_55, %dma_wait3A_56] : memref<125x80xi32, #tpu.memory_space<vmem>> -> memref<1x80xi32, #tpu.memory_space<vmem>>
    %dma_wait3A_58 = tpu.memref_squeeze %dma_wait3A_57 : memref<1x80xi32, #tpu.memory_space<vmem>> -> memref<80xi32, #tpu.memory_space<vmem>>
    %dma_wait3A_59 = arith.constant 0 : i32
    %dma_wait3A_60 = arith.constant 0 : i32
    %dma_wait3A_61 = tpu.memref_slice %arg9[%dma_wait3A_59, %dma_wait3A_60] : memref<10112x128xf32, #tpu.memory_space<vmem_shared>> -> memref<10112x128xf32, #tpu.memory_space<vmem_shared>>
    tpu.wait_indirect_dma semaphore(%arg15 : memref<!tpu.dma_semaphore, #tpu.memory_space<semaphore_mem>>) src(%arg12 : memref<80x128xf32, #tpu.memory_space<vmem>>) dst(%dma_wait3A_61 : memref<10112x128xf32, #tpu.memory_space<vmem_shared>>)
    %barrier3A_62 = arith.constant 0 : index
    tpu.barrier barrier_id(%barrier3A_62)
    %mul3A_63 = arith.constant 632 : i32
    %mul3A_64 = arith.muli %arg1, %mul3A_63 : i32
    %mul3A_65 = arith.constant 10112 : i32
    %mul3A_66 = arith.muli %arg0, %mul3A_65 : i32
    %add3A_67 = arith.addi %mul3A_66, %mul3A_64 : i32
    "tpu.region"() ({
      %run_scoped3A_73 = tpu.sem_alloc : memref<!tpu.dma_semaphore, #tpu.memory_space<semaphore_mem>>
      %dma_start3A_74 = arith.constant 0 : i32
      %dma_start3A_75 = tpu.memref_slice %arg7[%add3A_67, %dma_start3A_74] : memref<20224x128xf32, #tpu.memory_space<hbm>> -> memref<632x128xf32, #tpu.memory_space<hbm>>
      %dma_start3A_76 = arith.constant 0 : i32
      %dma_start3A_77 = tpu.memref_slice %arg9[%mul3A_64, %dma_start3A_76] : memref<10112x128xf32, #tpu.memory_space<vmem_shared>> -> memref<632x128xf32, #tpu.memory_space<vmem_shared>>
      tpu.enqueue_dma source(%dma_start3A_77 : memref<632x128xf32, #tpu.memory_space<vmem_shared>>) target(%dma_start3A_75 : memref<632x128xf32, #tpu.memory_space<hbm>>) target_semaphore(%run_scoped3A_73 : memref<!tpu.dma_semaphore, #tpu.memory_space<semaphore_mem>>)
      %dma_wait3A_78 = arith.constant 0 : i32
      %dma_wait3A_79 = tpu.memref_slice %arg7[%add3A_67, %dma_wait3A_78] : memref<20224x128xf32, #tpu.memory_space<hbm>> -> memref<632x128xf32, #tpu.memory_space<hbm>>
      %dma_wait3A_80 = arith.constant 0 : i32
      %dma_wait3A_81 = tpu.memref_slice %arg9[%mul3A_64, %dma_wait3A_80] : memref<10112x128xf32, #tpu.memory_space<vmem_shared>> -> memref<632x128xf32, #tpu.memory_space<vmem_shared>>
      tpu.wait_dma2 semaphore(%run_scoped3A_73 : memref<!tpu.dma_semaphore, #tpu.memory_space<semaphore_mem>>) src(%dma_wait3A_81 : memref<632x128xf32, #tpu.memory_space<vmem_shared>>) dst(%dma_wait3A_79 : memref<632x128xf32, #tpu.memory_space<hbm>>)
      tpu.yield
    }) : () -> ()
    %eq3A_68 = arith.constant 0 : i32
    %eq3A_69 = arith.cmpi eq, %arg1, %eq3A_68 : i32
    %convert_element_type3A_70 = arith.extui %eq3A_69 : i1 to i32
    %cond3A_71 = arith.constant 0 : i32
    %cond3A_72 = arith.cmpi ne, %convert_element_type3A_70, %cond3A_71 : i32
    scf.if %cond3A_72 {
      "tpu.region"() ({
        %run_scoped3A_73 = tpu.sem_alloc : memref<!tpu.dma_semaphore, #tpu.memory_space<semaphore_mem>>
        %dma_start3A_74 = arith.constant 0 : i32
        %dma_start3A_75 = tpu.memref_slice %arg8[%arg0, %dma_start3A_74] : memref<2x10112xf32, #tpu.memory_space<hbm>> -> memref<1x10112xf32, #tpu.memory_space<hbm>>
        %dma_start3A_76 = tpu.memref_squeeze %dma_start3A_75 : memref<1x10112xf32, #tpu.memory_space<hbm>> -> memref<10112xf32, #tpu.memory_space<hbm>>
        tpu.enqueue_dma source(%arg16 : memref<10112xf32, #tpu.memory_space<vmem_shared>>) target(%dma_start3A_76 : memref<10112xf32, #tpu.memory_space<hbm>>) target_semaphore(%run_scoped3A_73 : memref<!tpu.dma_semaphore, #tpu.memory_space<semaphore_mem>>)
        %dma_wait3A_77 = arith.constant 0 : i32
        %dma_wait3A_78 = tpu.memref_slice %arg8[%arg0, %dma_wait3A_77] : memref<2x10112xf32, #tpu.memory_space<hbm>> -> memref<1x10112xf32, #tpu.memory_space<hbm>>
        %dma_wait3A_79 = tpu.memref_squeeze %dma_wait3A_78 : memref<1x10112xf32, #tpu.memory_space<hbm>> -> memref<10112xf32, #tpu.memory_space<hbm>>
        tpu.wait_dma2 semaphore(%run_scoped3A_73 : memref<!tpu.dma_semaphore, #tpu.memory_space<semaphore_mem>>) src(%arg16 : memref<10112xf32, #tpu.memory_space<vmem_shared>>) dst(%dma_wait3A_79 : memref<10112xf32, #tpu.memory_space<hbm>>)
        tpu.yield
      }) : () -> ()
    } else {
    }
    return
  }
}

module attributes {stable_mosaic.version = 14 : i64} {
  func.func @_tc_xr_body(%arg0: i32, %arg1: memref<632x128xf32, #tpu.memory_space<vmem>>, %arg2: memref<128x128xf32, #tpu.memory_space<vmem>>, %arg3: memref<1x128xf32, #tpu.memory_space<vmem>>, %arg4: memref<632x128xf32, #tpu.memory_space<vmem>>) attributes {dimension_semantics = [#tpu.dimension_semantics<arbitrary>], iteration_bounds = array<i64: 16>, scalar_prefetch = 0 : i64, scratch_operands = 0 : i64, tpu.core_type = #tpu.core_type<tc>, window_params = [{transform_indices = @transform_0, window_bounds = array<i64: 632, 128>}, {pipeline_mode = #tpu.pipeline_mode<synchronous>, transform_indices = @transform_1, window_bounds = array<i64: 128, 128>}, {pipeline_mode = #tpu.pipeline_mode<synchronous>, transform_indices = @transform_2, window_bounds = array<i64: 1, 128>}, {transform_indices = @transform_3, window_bounds = array<i64: 632, 128>}]} {
    %get3A = arith.constant 0 : index
    %get3A_0 = arith.constant 0 : index
    %get3A_1 = vector.load %arg1[%get3A, %get3A_0] : memref<632x128xf32, #tpu.memory_space<vmem>>, vector<632x128xf32>
    %get3A_2 = arith.constant 0 : index
    %get3A_3 = arith.constant 0 : index
    %get3A_4 = vector.load %arg2[%get3A_2, %get3A_3] : memref<128x128xf32, #tpu.memory_space<vmem>>, vector<128x128xf32>
    %dot_general3A = arith.constant dense<0.000000e+00> : vector<632x128xf32>
    %dot_general3A_5 = tpu.matmul %get3A_1, %get3A_4, %dot_general3A {dimension_numbers = #tpu.dot_dimension_numbers<[1], [0], [0], [1], [0, 0, 1, 1], [], []>, transpose_lhs_hint = false} : vector<632x128xf32>, vector<128x128xf32>, vector<632x128xf32> -> vector<632x128xf32>
    %get3A_6 = arith.constant 0 : index
    %get3A_7 = arith.constant 0 : index
    %get3A_8 = vector.load %arg3[%get3A_6, %get3A_7] : memref<1x128xf32, #tpu.memory_space<vmem>>, vector<1x128xf32>
    %add3A = vector.broadcast %get3A_8 : vector<1x128xf32> to vector<632x128xf32>
    %add3A_9 = arith.addf %dot_general3A_5, %add3A : vector<632x128xf32>
    %swap3A = arith.constant 0 : index
    %swap3A_10 = arith.constant 0 : index
    %swap3A_11 = vector.load %arg4[%swap3A, %swap3A_10] : memref<632x128xf32, #tpu.memory_space<vmem>>, vector<632x128xf32>
    tpu.vector_store %arg4[%swap3A, %swap3A_10], %add3A_9 {strides = array<i32>} : memref<632x128xf32, #tpu.memory_space<vmem>>, vector<632x128xf32>,
    return
  }
  func.func @transform_0(%arg0: i32) -> (i32, i32) {
    %c0_i32 = arith.constant 0 : i32
    %c0_i32_0 = arith.constant 0 : i32
    return %arg0, %c0_i32 : i32, i32
  }
  func.func @transform_1(%arg0: i32) -> (i32, i32) {
    %c0_i32 = arith.constant 0 : i32
    %c0_i32_0 = arith.constant 0 : i32
    %c0_i32_1 = arith.constant 0 : i32
    return %c0_i32, %c0_i32_0 : i32, i32
  }
  func.func @transform_2(%arg0: i32) -> (i32, i32) {
    %c0_i32 = arith.constant 0 : i32
    %c0_i32_0 = arith.constant 0 : i32
    %c0_i32_1 = arith.constant 0 : i32
    return %c0_i32, %c0_i32_0 : i32, i32
  }
  func.func @transform_3(%arg0: i32) -> (i32, i32) {
    %c0_i32 = arith.constant 0 : i32
    %c0_i32_0 = arith.constant 0 : i32
    return %arg0, %c0_i32 : i32, i32
  }
}

module attributes {stable_mosaic.version = 14 : i64} {
  func.func @tc_body(%arg0: i32, %arg1: memref<632x128xf32, #tpu.memory_space<vmem>>, %arg2: memref<632x128xf32, #tpu.memory_space<vmem>>, %arg3: memref<632x1xf32, #tpu.memory_space<vmem>>, %arg4: memref<632x1xf32, #tpu.memory_space<vmem>>, %arg5: memref<632x128xf32, #tpu.memory_space<vmem>>, %arg6: memref<128x128xf32, #tpu.memory_space<vmem>>, %arg7: memref<632x128xf32, #tpu.memory_space<vmem>>) attributes {dimension_semantics = [#tpu.dimension_semantics<arbitrary>], iteration_bounds = array<i64: 16>, scalar_prefetch = 0 : i64, scratch_operands = 0 : i64, tpu.core_type = #tpu.core_type<tc>, window_params = [{transform_indices = @transform_0, window_bounds = array<i64: 632, 128>}, {transform_indices = @transform_1, window_bounds = array<i64: 632, 128>}, {transform_indices = @transform_2, window_bounds = array<i64: 632, 1>}, {transform_indices = @transform_3, window_bounds = array<i64: 632, 1>}, {transform_indices = @transform_4, window_bounds = array<i64: 632, 128>}, {pipeline_mode = #tpu.pipeline_mode<synchronous>, transform_indices = @transform_5, window_bounds = array<i64: 128, 128>}, {transform_indices = @transform_6, window_bounds = array<i64: 632, 128>}]} {
    %get3A = arith.constant 0 : index
    %get3A_0 = arith.constant 0 : index
    %get3A_1 = vector.load %arg3[%get3A, %get3A_0] : memref<632x1xf32, #tpu.memory_space<vmem>>, vector<632x1xf32>
    %get3A_2 = arith.constant 0 : index
    %get3A_3 = arith.constant 0 : index
    %get3A_4 = vector.load %arg4[%get3A_2, %get3A_3] : memref<632x1xf32, #tpu.memory_space<vmem>>, vector<632x1xf32>
    %add3A = arith.addf %get3A_1, %get3A_4 : vector<632x1xf32>
    %max3A = arith.constant 1.000000e+00 : f32
    %max3A_5 = vector.broadcast %max3A : f32 to vector<632x1xf32>
    %max3A_6 = arith.maximumf %add3A, %max3A_5 : vector<632x1xf32>
    %get3A_7 = arith.constant 0 : index
    %get3A_8 = arith.constant 0 : index
    %get3A_9 = vector.load %arg1[%get3A_7, %get3A_8] : memref<632x128xf32, #tpu.memory_space<vmem>>, vector<632x128xf32>
    %get3A_10 = arith.constant 0 : index
    %get3A_11 = arith.constant 0 : index
    %get3A_12 = vector.load %arg2[%get3A_10, %get3A_11] : memref<632x128xf32, #tpu.memory_space<vmem>>, vector<632x128xf32>
    %add3A_13 = arith.addf %get3A_9, %get3A_12 : vector<632x128xf32>
    %div3A = vector.broadcast %max3A_6 : vector<632x1xf32> to vector<632x128xf32>
    %div3A_14 = arith.divf %add3A_13, %div3A : vector<632x128xf32>
    %get3A_15 = arith.constant 0 : index
    %get3A_16 = arith.constant 0 : index
    %get3A_17 = vector.load %arg6[%get3A_15, %get3A_16] : memref<128x128xf32, #tpu.memory_space<vmem>>, vector<128x128xf32>
    %dot_general3A = arith.constant dense<0.000000e+00> : vector<632x128xf32>
    %dot_general3A_18 = tpu.matmul %div3A_14, %get3A_17, %dot_general3A {dimension_numbers = #tpu.dot_dimension_numbers<[1], [0], [0], [1], [0, 0, 1, 1], [], []>, transpose_lhs_hint = false} : vector<632x128xf32>, vector<128x128xf32>, vector<632x128xf32> -> vector<632x128xf32>
    %get3A_19 = arith.constant 0 : index
    %get3A_20 = arith.constant 0 : index
    %get3A_21 = vector.load %arg5[%get3A_19, %get3A_20] : memref<632x128xf32, #tpu.memory_space<vmem>>, vector<632x128xf32>
    %add3A_22 = arith.addf %dot_general3A_18, %get3A_21 : vector<632x128xf32>
    %max3A_23 = arith.constant 0.000000e+00 : f32
    %max3A_24 = vector.broadcast %max3A_23 : f32 to vector<632x128xf32>
    %max3A_25 = arith.maximumf %add3A_22, %max3A_24 : vector<632x128xf32>
    %swap3A = arith.constant 0 : index
    %swap3A_26 = arith.constant 0 : index
    %swap3A_27 = vector.load %arg7[%swap3A, %swap3A_26] : memref<632x128xf32, #tpu.memory_space<vmem>>, vector<632x128xf32>
    tpu.vector_store %arg7[%swap3A, %swap3A_26], %max3A_25 {strides = array<i32>} : memref<632x128xf32, #tpu.memory_space<vmem>>, vector<632x128xf32>,
    return
  }
  func.func @transform_0(%arg0: i32) -> (i32, i32) {
    %c0_i32 = arith.constant 0 : i32
    %c0_i32_0 = arith.constant 0 : i32
    return %arg0, %c0_i32 : i32, i32
  }
  func.func @transform_1(%arg0: i32) -> (i32, i32) {
    %add3A = arith.constant 16 : i32
    %add3A_0 = arith.addi %arg0, %add3A : i32
    %c0_i32 = arith.constant 0 : i32
    %c0_i32_1 = arith.constant 0 : i32
    return %add3A_0, %c0_i32 : i32, i32
  }
  func.func @transform_2(%arg0: i32) -> (i32, i32) {
    %c0_i32 = arith.constant 0 : i32
    %c0_i32_0 = arith.constant 0 : i32
    return %arg0, %c0_i32 : i32, i32
  }
  func.func @transform_3(%arg0: i32) -> (i32, i32) {
    %add3A = arith.constant 16 : i32
    %add3A_0 = arith.addi %arg0, %add3A : i32
    %c0_i32 = arith.constant 0 : i32
    %c0_i32_1 = arith.constant 0 : i32
    return %add3A_0, %c0_i32 : i32, i32
  }
  func.func @transform_4(%arg0: i32) -> (i32, i32) {
    %c0_i32 = arith.constant 0 : i32
    %c0_i32_0 = arith.constant 0 : i32
    return %arg0, %c0_i32 : i32, i32
  }
  func.func @transform_5(%arg0: i32) -> (i32, i32) {
    %c0_i32 = arith.constant 0 : i32
    %c0_i32_0 = arith.constant 0 : i32
    %c0_i32_1 = arith.constant 0 : i32
    return %c0_i32, %c0_i32_0 : i32, i32
  }
  func.func @transform_6(%arg0: i32) -> (i32, i32) {
    %c0_i32 = arith.constant 0 : i32
    %c0_i32_0 = arith.constant 0 : i32
    return %arg0, %c0_i32 : i32, i32
  }
}

module attributes {stable_mosaic.version = 14 : i64} {
  func.func @tc_body(%arg0: i32, %arg1: memref<632x128xf32, #tpu.memory_space<vmem>>, %arg2: memref<632x128xf32, #tpu.memory_space<vmem>>, %arg3: memref<632x1xf32, #tpu.memory_space<vmem>>, %arg4: memref<632x1xf32, #tpu.memory_space<vmem>>, %arg5: memref<632x128xf32, #tpu.memory_space<vmem>>, %arg6: memref<128x128xf32, #tpu.memory_space<vmem>>, %arg7: memref<632x128xf32, #tpu.memory_space<vmem>>) attributes {dimension_semantics = [#tpu.dimension_semantics<arbitrary>], iteration_bounds = array<i64: 16>, scalar_prefetch = 0 : i64, scratch_operands = 0 : i64, tpu.core_type = #tpu.core_type<tc>, window_params = [{transform_indices = @transform_0, window_bounds = array<i64: 632, 128>}, {transform_indices = @transform_1, window_bounds = array<i64: 632, 128>}, {transform_indices = @transform_2, window_bounds = array<i64: 632, 1>}, {transform_indices = @transform_3, window_bounds = array<i64: 632, 1>}, {transform_indices = @transform_4, window_bounds = array<i64: 632, 128>}, {pipeline_mode = #tpu.pipeline_mode<synchronous>, transform_indices = @transform_5, window_bounds = array<i64: 128, 128>}, {transform_indices = @transform_6, window_bounds = array<i64: 632, 128>}]} {
    %get3A = arith.constant 0 : index
    %get3A_0 = arith.constant 0 : index
    %get3A_1 = vector.load %arg3[%get3A, %get3A_0] : memref<632x1xf32, #tpu.memory_space<vmem>>, vector<632x1xf32>
    %get3A_2 = arith.constant 0 : index
    %get3A_3 = arith.constant 0 : index
    %get3A_4 = vector.load %arg4[%get3A_2, %get3A_3] : memref<632x1xf32, #tpu.memory_space<vmem>>, vector<632x1xf32>
    %add3A = arith.addf %get3A_1, %get3A_4 : vector<632x1xf32>
    %max3A = arith.constant 1.000000e+00 : f32
    %max3A_5 = vector.broadcast %max3A : f32 to vector<632x1xf32>
    %max3A_6 = arith.maximumf %add3A, %max3A_5 : vector<632x1xf32>
    %get3A_7 = arith.constant 0 : index
    %get3A_8 = arith.constant 0 : index
    %get3A_9 = vector.load %arg1[%get3A_7, %get3A_8] : memref<632x128xf32, #tpu.memory_space<vmem>>, vector<632x128xf32>
    %get3A_10 = arith.constant 0 : index
    %get3A_11 = arith.constant 0 : index
    %get3A_12 = vector.load %arg2[%get3A_10, %get3A_11] : memref<632x128xf32, #tpu.memory_space<vmem>>, vector<632x128xf32>
    %add3A_13 = arith.addf %get3A_9, %get3A_12 : vector<632x128xf32>
    %div3A = vector.broadcast %max3A_6 : vector<632x1xf32> to vector<632x128xf32>
    %div3A_14 = arith.divf %add3A_13, %div3A : vector<632x128xf32>
    %get3A_15 = arith.constant 0 : index
    %get3A_16 = arith.constant 0 : index
    %get3A_17 = vector.load %arg6[%get3A_15, %get3A_16] : memref<128x128xf32, #tpu.memory_space<vmem>>, vector<128x128xf32>
    %dot_general3A = arith.constant dense<0.000000e+00> : vector<632x128xf32>
    %dot_general3A_18 = tpu.matmul %div3A_14, %get3A_17, %dot_general3A {dimension_numbers = #tpu.dot_dimension_numbers<[1], [0], [0], [1], [0, 0, 1, 1], [], []>, transpose_lhs_hint = false} : vector<632x128xf32>, vector<128x128xf32>, vector<632x128xf32> -> vector<632x128xf32>
    %get3A_19 = arith.constant 0 : index
    %get3A_20 = arith.constant 0 : index
    %get3A_21 = vector.load %arg5[%get3A_19, %get3A_20] : memref<632x128xf32, #tpu.memory_space<vmem>>, vector<632x128xf32>
    %add3A_22 = arith.addf %dot_general3A_18, %get3A_21 : vector<632x128xf32>
    %swap3A = arith.constant 0 : index
    %swap3A_23 = arith.constant 0 : index
    %swap3A_24 = vector.load %arg7[%swap3A, %swap3A_23] : memref<632x128xf32, #tpu.memory_space<vmem>>, vector<632x128xf32>
    tpu.vector_store %arg7[%swap3A, %swap3A_23], %add3A_22 {strides = array<i32>} : memref<632x128xf32, #tpu.memory_space<vmem>>, vector<632x128xf32>,
    return
  }
  func.func @transform_0(%arg0: i32) -> (i32, i32) {
    %c0_i32 = arith.constant 0 : i32
    %c0_i32_0 = arith.constant 0 : i32
    return %arg0, %c0_i32 : i32, i32
  }
  func.func @transform_1(%arg0: i32) -> (i32, i32) {
    %add3A = arith.constant 16 : i32
    %add3A_0 = arith.addi %arg0, %add3A : i32
    %c0_i32 = arith.constant 0 : i32
    %c0_i32_1 = arith.constant 0 : i32
    return %add3A_0, %c0_i32 : i32, i32
  }
  func.func @transform_2(%arg0: i32) -> (i32, i32) {
    %c0_i32 = arith.constant 0 : i32
    %c0_i32_0 = arith.constant 0 : i32
    return %arg0, %c0_i32 : i32, i32
  }
  func.func @transform_3(%arg0: i32) -> (i32, i32) {
    %add3A = arith.constant 16 : i32
    %add3A_0 = arith.addi %arg0, %add3A : i32
    %c0_i32 = arith.constant 0 : i32
    %c0_i32_1 = arith.constant 0 : i32
    return %add3A_0, %c0_i32 : i32, i32
  }
  func.func @transform_4(%arg0: i32) -> (i32, i32) {
    %c0_i32 = arith.constant 0 : i32
    %c0_i32_0 = arith.constant 0 : i32
    return %arg0, %c0_i32 : i32, i32
  }
  func.func @transform_5(%arg0: i32) -> (i32, i32) {
    %c0_i32 = arith.constant 0 : i32
    %c0_i32_0 = arith.constant 0 : i32
    %c0_i32_1 = arith.constant 0 : i32
    return %c0_i32, %c0_i32_0 : i32, i32
  }
  func.func @transform_6(%arg0: i32) -> (i32, i32) {
    %c0_i32 = arith.constant 0 : i32
    %c0_i32_0 = arith.constant 0 : i32
    return %arg0, %c0_i32 : i32, i32
  }
}

</mosaic_0001>

<sc_bundles>
// kernel: _impl.11.cloned.1.call-start
scs
__scs_entry_jumppad:
0x0: {  	(pc) =	sbr.rel $0x88, $3  }
0x1: {  	(tag) =	ssettag $0x0;
	lr =	simm.s32 $0x1  }
0x2: {  	[smem:$0x3F99] =	sst lr;
	_ =	strace $0xD0000000  }
0x3: {  	_ = 	snop  }
0x4: {  	_ = 	snop  }
0x5: {  	_ = 	snop  }
0x6: {  	_ = 	snop  }
0x7: {  	_ = 	snop  }
__scs_overlays_trampoline_lowered:
0x8: {  	[smem:$0x3FA8] =	sst s0  }
0x9: {  	[smem:$0x3FA9] =	sst s1  }
0xa: {  	[smem:$0x3FAA] =	sst s2  }
0xb: {  	[smem:$0x3FAB] =	sst s3  }
0xc: {  	[smem:$0x3FAC] =	sst s4  }
0xd: {  	[smem:$0x3FAD] =	sst s5  }
0xe: {  	[smem:$0x3FAE] =	sst s6  }
0xf: {  	[smem:$0x3FAF] =	sst s7  }
0x10: {  	[smem:$0x3FB0] =	sst s8  }
0x11: {  	[smem:$0x3FB1] =	sst s9;
	s0 =	simm.s32 @!p0 $0x0  }
0x12: {  	s1 =	sld [smem:$0x3F97];
	s0 =	simm.s32 @p0 $0x1  }
0x13: {  	[smem:$0x3FB2] =	sst s0;
	s0 =	simm.s32 @!p1 $0x0  }
0x14: {  	s2 =	sld [smem:$0x3F96];
	s0 =	simm.s32 @p1 $0x1  }
0x15: {  	[smem:$0x3FB3] =	sst s0;
	s0 =	simm.s32 @!p2 $0x0  }
0x16: {  	s3 =	sld [smem:$0x3FDB];
	s0 =	simm.s32 @p2 $0x1  }
0x17: {  	s4 =	simm.s32 $0x1BF5;
	[smem:$0x3FB5] =	sst s0  }
0x18: {  	s0 =	sld [smem:$0x3F98];
	_ =	swait.ge [sflag:s4], $0x0  }
0x19: {  	s7 =	sld [smem:$0x3F99]  }
0x1a: {  	s8 =	sadd.s32 $0xFFFFE003, lr  }
0x1b: {  	s9 =	sadd.s32 $0xFFFFFEF7, lr;
	s5 =	simm.s32 $0xFFFFFFFF;
	p2 =	slt.u32 s8, $0xFFFFF086  }
0x1c: {  	p1 =	slt.u32 s9, $0xF7A;
	s5 =	simm.s32 @!p2 $0x0  }
0x1d: {  	s5 =	simm.s32 @p1 $0x1;
	p0 =	seq.s32 s7, s2  }
0x1e: {  	s7 =	smul.u32 @!p0 $0xF7A, s2;
	p2 =	seq.s32 @!p0 s5, $0x0  }
0x1f: {  	s9 =	smul.u32 $0xF7A, s1;
	s8 =	simm.s32 @!p0 $0x1BF5;
	p2 =	por !p2, p0  }
0x20: {  	[sflag:s8] =	ssyncset.s32 @!p0 $0xFFFFF086;
	s6 =	sadd.s32 @!p0 s3, s7;
	s7 =	simm.s32 @!p0 $0x108  }
0x21: {  	s3 =	sadd.s32 s3, s9;
	s6 =	sadd.s32 @!p0 $0x88, s6;
	s7 =	simm.s32 @p2 $0x1082  }
0x22: {  	[simem:s7], [sflag:s8] =	dma.local @!p0 [hbm:s6], $0xF7A  }
0x23: {  	s9 =	sor.u32 $0xD0000000, s2;
	s6 =	simm.s32 $0x108;
	_ =	swait.ge @!p0 [sflag:s8], $0x0  }
0x24: {  	s3 =	sadd.s32 $0x88, s3;
	s6 =	simm.s32 @!p1 $0x1082;
	[sflag:s4] =	ssyncset.s32 $0xFFFFF086  }
0x25: {  	[simem:s6], [sflag:s4] =	dma.local [hbm:s3], $0xF7A  }
0x26: {  	[smem:$0x3F99] =	sst s1;
	(tag) =	ssettag s2;
	_ =	strace s9  }
0x27: {  	s1 =	sld [smem:$0x3FA9]  }
0x28: {  	s2 =	sld [smem:$0x3FAA]  }
0x29: {  	s4 =	sld [smem:$0x3FAC]  }
0x2a: {  	p0 =	seq.s32 s5, $0x0;
	s5 =	sld [smem:$0x3FAD]  }
0x2b: {  	s6 =	sld [smem:$0x3FAE]  }
0x2c: {  	s7 =	sld [smem:$0x3FAF]  }
0x2d: {  	s3 =	simm.s32 $0x108;
	s8 =	sld [smem:$0x3FB0]  }
0x2e: {  	s3 =	simm.s32 @!p0 $0x1082;
	s9 =	sld [smem:$0x3FB1]  }
0x2f: {  	lr =	sadd.s32 s0, s3;
	s0 =	sld [smem:$0x3FA8]  }
0x30: {  	s3 =	sld [smem:$0x3FAB]  }
0x31: {  	[smem:$0x3FB4] =	sst s10  }
0x32: {  	s10 =	sld [smem:$0x3FB2];
	_ =	sdelay $0x3  }
0x33: {  	p0 =	seq.s32 s10, $0x1;
	s10 =	sld [smem:$0x3FB4];
	_ =	sdelay $0x3  }
0x34: {  	[smem:$0x3FB4] =	sst s10  }
0x35: {  	s10 =	sld [smem:$0x3FB3];
	_ =	sdelay $0x3  }
0x36: {  	p1 =	seq.s32 s10, $0x1;
	s10 =	sld [smem:$0x3FB4];
	_ =	sdelay $0x3  }
0x37: {  	[smem:$0x3FB4] =	sst s10  }
0x38: {  	s10 =	sld [smem:$0x3FB5]  }
0x39: {  	_ = 	snop;
	(pc) =	sbr.ind lr, $3  }
0x3a: {  	_ = 	snop  }
0x3b: {  	_ = 	snop  }
0x3c: {  	p2 =	seq.s32 s10, $0x1;
	s10 =	sld [smem:$0x3FB4]  }
0x3d: {  	_ =	shalt  }
0x3e: {  	_ =	shalt  }
0x3f: {  	_ =	shalt  }
0x40: {  	_ =	shalt  }
0x41: {  	_ =	shalt  }
0x42: {  	_ =	shalt  }
0x43: {  	_ =	shalt  }
0x44: {  	_ =	shalt  }
0x45: {  	_ =	shalt  }
0x46: {  	_ =	shalt  }
0x47: {  	_ =	shalt  }
0x48: {  	_ =	shalt  }
0x49: {  	_ =	shalt  }
0x4a: {  	_ =	shalt  }
0x4b: {  	_ =	shalt  }
0x4c: {  	_ =	shalt  }
0x4d: {  	_ =	shalt  }
0x4e: {  	_ =	shalt  }
0x4f: {  	_ =	shalt  }
0x50: {  	_ =	shalt  }
0x51: {  	_ =	shalt  }
0x52: {  	_ =	shalt  }
0x53: {  	_ =	shalt  }
0x54: {  	_ =	shalt  }
0x55: {  	_ =	shalt  }
0x56: {  	_ =	shalt  }
0x57: {  	_ =	shalt  }
0x58: {  	_ =	shalt  }
0x59: {  	_ =	shalt  }
0x5a: {  	_ =	shalt  }
0x5b: {  	_ =	shalt  }
0x5c: {  	_ =	shalt  }
0x5d: {  	_ =	shalt  }
0x5e: {  	_ =	shalt  }
0x5f: {  	_ =	shalt  }
0x60: {  	_ =	shalt  }
0x61: {  	_ =	shalt  }
0x62: {  	_ =	shalt  }
0x63: {  	_ =	shalt  }
0x64: {  	_ =	shalt  }
0x65: {  	_ =	shalt  }
0x66: {  	_ =	shalt  }
0x67: {  	_ =	shalt  }
0x68: {  	_ =	shalt  }
0x69: {  	_ =	shalt  }
0x6a: {  	_ =	shalt  }
0x6b: {  	_ =	shalt  }
0x6c: {  	_ =	shalt  }
0x6d: {  	_ =	shalt  }
0x6e: {  	_ =	shalt  }
0x6f: {  	_ =	shalt  }
0x70: {  	_ =	shalt  }
0x71: {  	_ =	shalt  }
0x72: {  	_ =	shalt  }
0x73: {  	_ =	shalt  }
0x74: {  	_ =	shalt  }
0x75: {  	_ =	shalt  }
0x76: {  	_ =	shalt  }
0x77: {  	_ =	shalt  }
0x78: {  	_ =	shalt  }
0x79: {  	_ =	shalt  }
0x7a: {  	_ =	shalt  }
0x7b: {  	_ =	shalt  }
0x7c: {  	_ =	shalt  }
0x7d: {  	_ =	shalt  }
0x7e: {  	_ =	shalt  }
0x7f: {  	_ =	shalt  }
0x80: {  	_ =	shalt  }
0x81: {  	_ =	shalt  }
0x82: {  	_ =	shalt  }
0x83: {  	_ =	shalt  }
0x84: {  	_ =	shalt  }
0x85: {  	_ =	shalt  }
0x86: {  	_ =	shalt  }
0x87: {  	_ =	shalt  }
.Lfunc_end0:
.L_simem_size_0:
called_computation.1_lowered:
.L_overlay_start_0:
0x88: {  	s2 =	sld [smem:$0x3FD9]  }
0x89: {  	s3 =	sld [smem:$0x3FFE];
	_ =	sdelay $0x1  }
0x8a: {  	s1 =	srdreg.scid  }
0x8b: {  	s0 =	sand.u32 $0x1, s1  }
0x8c: {  	s17 =	sshll.u32 s0, $0xA;
	s2 =	sadd.s32 s3, s2  }
0x8d: {  	s2 =	sadd.s32 s2, s17  }
0x8e: {  	[smem:$0x3FC0] =	sst s2  }
0x8f: {  	_ = 	snop  }
0x90: {  	s2 =	sld [smem:$0x3FD0];
	(tm) =	ssettm $0x1  }
0x91: {  	s18 =	sld [smem:$0x3FFB];
	_ =	sdelay $0x3  }
0x92: {  	_ =	strace s18  }
0x93: {  	s3 =	sld [smem:$0x3FFC];
	_ =	sdelay $0x3  }
0x94: {  	_ =	strace s3  }
0x95: {  	s3 =	sld [smem:$0x3FFD];
	_ =	sdelay $0x3  }
0x96: {  	_ =	strace s3  }
0x97: {  	_ =	strace $0x8FFFFFFF  }
0x98: {  	s19 =	sld [smem:$0x3FDB];
	_ =	sdelay $0x1  }
0x99: {  	s4 =	simm.s32 $_scs_section_size  }
0x9a: {  	s5 =	simm.s32 $_size__tile_overlayer_lowered;
	s6 =	simm.s32 $_tile_overlayer_lowered  }
0x9b: {  	s22 =	simm.s32 $0x1BFF;
	s21 =	sshll.u32 s6, $0x1;
	s3 =	sadd.s32 s4, s19  }
0x9c: {  	s7 =	simm.s32 $0x0;
	s20 =	sshll.u32 s5, $0x1;
	s5 =	sadd.s32 s21, s3  }
0x9d: {  	[timem:s7], [sflag:s22] =	dma.local [hbm:s5], s20  }
0x9e: {  	_ =	swait.ge [sflag:s22], s20  }
0x9f: {  	s4 =	ssub.s32 $0x0, s20;
	[sflag:s22] =	ssyncset.done $0x0  }
0xa0: {  	[sflag:s22] =	ssyncadd.s32 s4;
	_ =	sdelay $0x1  }
0xa1: {  	s23 =	simm.s32 $0x1B8B  }
0xa2: {  	_ =	swait.ge [sflag:s23], $0x1  }
0xa3: {  	[sflag:s23] =	ssyncset.done $0x0  }
0xa4: {  	s25 =	simm.s32 $0x1B8E;
	s24 =	sld [smem:$0x3FFE];
	[sflag:s23] =	ssyncadd.s32 $0xFFFFFFFF  }
0xa5: {  	s26 =	simm.s32 $execute0_lowered;
	[smem:$0x3FD2] =	sst s25  }
0xa6: {  	s5 =	sshll.u32 s26, $0x1;
	_ =	strace $0x80000049;
	[dreg:$0x1] =	wrdreg $0xFFFFFFFF  }
0xa7: {  	s28 =	simm.s32 $_size_execute0_lowered;
	s3 =	sadd.s32 s3, s5;
	[dreg:$0x0] =	wrdreg $0x0  }
0xa8: {  	s5 =	sshll.u32 s28, $0x1;
	[dreg:$0x2] =	wrdreg s3  }
0xa9: {  	[dreg:$0x3] =	wrdreg s5  }
0xaa: {  	[dreg:$0x4] =	wrdreg $0xC0  }
0xab: {  	_ =	task [dreg:s7], $0x5FFFF  }
0xac: {  	[dreg:$0x1] =	wrdreg $0xFFFFFFFF  }
0xad: {  	[dreg:$0x0] =	wrdreg $0x60  }
0xae: {  	[dreg:$0x2] =	wrdreg s24  }
0xaf: {  	[dreg:$0x3] =	wrdreg s2  }
0xb0: {  	[dreg:$0x4] =	wrdreg $0x0  }
0xb1: {  	[dreg:$0x5] =	wrdreg $0x9  }
0xb2: {  	_ =	task.clear_ibuf [dreg:s7], $0x6FFFF;
	_ =	strace $0x90000049  }
0xb3: {  	s29 =	simm.s32 $0x9;
	_ =	strace $0x8000004B  }
0xb4: {  	_ =	swait.ge [sflag:s29], $0x1  }
0xb5: {  	[sflag:s29] =	ssyncadd.s32 $0xFFFFFFFF  }
0xb6: {  	_ =	strace $0x9000004B  }
0xb7: {  	_ =	sfence  }
0xb8: {  	s30 =	sld [smem:$0x0];
	_ =	sdelay $0x2  }
0xb9: {  	s31 =	sshll.u32 s1, $0xD;
	s1 =	sshrl.u32 s1, $0x2  }
0xba: {  	s3 =	sand.u32 $0x4000, s31;
	s1 =	sadd.s32 s1, s30  }
0xbb: {  	s0 =	sor.u32 s3, s0;
	s1 =	sshll.u32 s1, $0x11  }
0xbc: {  	s0 =	sor.u32 s1, s0  }
0xbd: {  	s0 =	sadd.s32 $0x8F2B, s0  }
0xbe: {  	[sflag:s0] =	ssyncadd.remote.s32 $0x1  }
0xbf: {  	_ =	sfence.sel $0xFFFF  }
0xc0: {  	[dreg:$0x0] =	wrdreg $0xFFFFFFFF;
	(pc) =	sbr.abs _section_cstart, $3  }
0xc1: {  	[dreg:$0x1] =	wrdreg $0xFFFFFFFF  }
0xc2: {  	_ =	task.clear_ibuf [dreg:s7], $0x2FFFF;
	_ =	strace $0x9FFFFFFF  }
0xc3: {  	(tm) =	ssettm $0x7FFFFFFF  }
tec
execute0_lowered:
.L_overlay_start_1:
0x0: {  	(tag) =	ssettag $0x1  }
0x1: {  	s6 =	rddreg [dreg:$0x0]  }
0x2: {  	s8 =	rddreg [dreg:$0x1]  }
0x3: {  	s0 =	srdreg.scid;
	s2 =	rddreg [dreg:$0x2]  }
0x4: {  	s14 =	simm.s32 $0x16380;
	s15 =	simm.s32 $0x50;
	s16 =	simm.s32 $0x1A380  }
0x5: {  	s19 =	simm.s32 $0x1;
	s20 =	simm.s32 $0x1CB80;
	s21 =	simm.s32 $0x2  }
0x6: {  	s22 =	simm.s32 $0x1A180;
	s5 =	sand.u32 $0x1, s0;
	s0 =	stileid.u32  }
0x7: {  	s23 =	simm.s32 $0x0;
	s1 =	sshll.u32 s5, $0x4;
	s28 =	smul.u32 $0x2780, s0  }
0x8: {  	s3 =	sshll.u32 s0, $0x7;
	s11 =	smul.u32 $0x27800, s5;
	s5 =	ssub.s32 $0x2, s5  }
0x9: {  	s12 =	smul.u32 $0x4F000, s0;
	s17 =	sshll.u32 s0, $0x6;
	s7 =	sor.u32 s0, s1  }
0xa: {  	s9 =	sand.u32 $0x380, s3;
	s3 =	simm.s32 $0x0;
	s29 =	sshrl.u32 s5, $0x1  }
0xb: {  	s17 =	sor.u32 $0x1C03, s17;
	s1 =	sshrl.u32 s7, $0x3;
	[smem:$0x7FF] =	sst s3  }
0xc: {  	s11 =	sadd.s32 s28, s11;
	s13 =	ssub.s32 s5, s29;
	s30 =	sshll.u32 s7, $0xB  }
0xd: {  	s31 =	sshrl.u32 s12, $0x2;
	s12 =	simm.s32 $0x13C00;
	s4 =	smul.u32 $0x13C00, s1  }
0xe: {  	s1 =	rddreg [dreg:$0x3];
	_ =	strace $0x8000004A;
	s18 =	sadd.s32 s31, s2  }
0xf: {  	s11 =	sadd.s32 s11, s6;
	s18 =	sshrl.u32 s18, $0x3;
	s4 =	sor.u32 s9, s4  }
0x10: {  	s9 =	sadd.s32 s28, s6;
	s10 =	sshrl.u32 s4, $0x3;
	s4 =	sadd.s32 $0xC000, s6  }
0x11: {  	s7 =	sadd.s32 $0x33800, s9;
	s9 =	smax.u32 s13, $0x1;
	s13 =	simm.s32 $0x3  }
0x12: {  	s10 =	sadd.s32 s10, s6;
	s6 =	sadd.s32 s8, s30;
	s8 =	sadd.s32 $0x5B600, s11  }
0x13: {  	s11 =	simm.s32 $0x400;
	s5 =	sadd.s32 $0x2200, s10;
	s10 =	simm.s32 $0x80  }
.LBB2_1:
0x14: {  	[tilespmem:s12], [sflag:$0x3] =	stream.strided.gather [hbm4b:s5+s10], $0x2780, s11, s10, $0x38;
	[tilespmem:$0x1F380] =	vst v63  }
0x15: {  	_ =	swait.ge [sflag:s13], $0x2780  }
0x16: {  	[sflag:s13] =	ssyncset.done $0x0  }
0x17: {  	[sflag:s13] =	ssyncadd.s32 $0xFFFFD880  }
0x18: {  	[tilespmem:s14], [sflag:$0x3] =	stream.linear.gather [hbm4b:s6+s3], $0x3E80, $0x38;
	[tilespmem:$0x1F380] =	vst v63  }
0x19: {  	_ =	swait.ge [sflag:s13], $0x3E80  }
0x1a: {  	[sflag:s13] =	ssyncset.done $0x0  }
0x1b: {  	[sflag:s13] =	ssyncadd.s32 $0xFFFFC180  }
0x1c: {  	[tilespmem:s16], [sflag:$0x1] =	stream.indirect.gather [hbm4b:s4+s15], $0x80, s12, s15, $0xb8;
	[tilespmem:$0x1F380] =	vst v63  }
0x1d: {  	[spmem:s18], [sflag:s17] =	dma.local [hbm:s7], $0x2780  }
0x1e: {  	_ =	swait.ge [sflag:s13], $0x2780  }
0x1f: {  	[sflag:s13] =	ssyncset.done $0x0  }
0x20: {  	[sflag:s13] =	ssyncadd.s32 $0xFFFFD880  }
0x21: {  	[bflag:$0x0] =	sbarrier.arrive $0xFFFF  }
0x22: {  	_ =	swait.ge [sflag:s19], $0x2800  }
0x23: {  	[sflag:s19] =	ssyncset.done $0x0  }
0x24: {  	s24 =	simm.s32 $0x13C50;
	[sflag:s19] =	ssyncadd.s32 $0xFFFFD800  }
0x25: {  	[tilespmem:s20], [sflag:$0x1] =	stream.indirect.gather [hbm4b:s4+s15], $0x80, s24, s15, $0xb8;
	[tilespmem:$0x1F380] =	vst v63  }
0x26: {  	s25 =	simm.s32 $0x16380  }
0x27: {  	[spmem:s2] =	stream.indirect.scatter.add.f32 [tilespmem:s16], [sflag:$0x2], $0x80, s25, s15, $0xb8;
	[tilespmem:$0x1F380] =	vst v63  }
0x28: {  	_ =	swait.ge [sflag:s19], $0x2800  }
0x29: {  	[sflag:s19] =	ssyncset.done $0x0  }
0x2a: {  	[sflag:s19] =	ssyncadd.s32 $0xFFFFD800  }
0x2b: {  	_ =	swait.ge [sflag:s21], $0x2800  }
0x2c: {  	[sflag:s21] =	ssyncset.done $0x0  }
0x2d: {  	s30 =	simm.s32 $0x13CA0;
	[sflag:s21] =	ssyncadd.s32 $0xFFFFD800  }
0x2e: {  	[tilespmem:s16], [sflag:$0x1] =	stream.indirect.gather [hbm4b:s4+s15], $0x80, s30, s15, $0xb8;
	[tilespmem:$0x1F380] =	vst v63  }
0x2f: {  	s31 =	simm.s32 $0x16400  }
0x30: {  	[spmem:s2] =	stream.indirect.scatter.add.f32 [tilespmem:s20], [sflag:$0x2], $0x80, s31, s15, $0xb8;
	[tilespmem:$0x1F380] =	vst v63  }
0x31: {  	_ =	swait.ge [sflag:s21], $0x2800  }
0x32: {  	s25 =	simm.s32 $0x400;
	[sflag:s21] =	ssyncset.done $0x0  }
.LBB2_2:
0x33: {  	p0 =	sne.s32 s25, $0xF400;
	[sflag:s21] =	ssyncadd.s32 $0xFFFFD800;
	s24 =	sadd.s32 $0xA0, s24  }
0x34: {  	s26 =	smov.u32 s25;
	s25 =	sadd.s32 $0x400, s25  }
0x35: {  	_ =	swait.ge [sflag:s19], $0x2800  }
0x36: {  	[sflag:s19] =	ssyncset.done $0x0  }
0x37: {  	s26 =	sshra.s32 s26, $0x2;
	[sflag:s19] =	ssyncadd.s32 $0xFFFFD800  }
0x38: {  	[tilespmem:s20], [sflag:$0x1] =	stream.indirect.gather [hbm4b:s4+s15], $0x80, s24, s15, $0xb8;
	[tilespmem:$0x1F380] =	vst v63  }
0x39: {  	s28 =	sadd.s32 $0x16380, s26  }
0x3a: {  	[spmem:s2] =	stream.indirect.scatter.add.f32 [tilespmem:s16], [sflag:$0x2], $0x80, s28, s15, $0xb8;
	[tilespmem:$0x1F380] =	vst v63  }
0x3b: {  	_ =	swait.ge [sflag:s19], $0x2800  }
0x3c: {  	[sflag:s19] =	ssyncset.done $0x0  }
0x3d: {  	[sflag:s19] =	ssyncadd.s32 $0xFFFFD800  }
0x3e: {  	_ =	swait.ge [sflag:s21], $0x2800  }
0x3f: {  	[sflag:s21] =	ssyncset.done $0x0  }
0x40: {  	s28 =	sadd.s32 $0x50, s24;
	[sflag:s21] =	ssyncadd.s32 $0xFFFFD800  }
0x41: {  	[tilespmem:s16], [sflag:$0x1] =	stream.indirect.gather [hbm4b:s4+s15], $0x80, s28, s15, $0xb8;
	[tilespmem:$0x1F380] =	vst v63  }
.Ltmp0:
0x42: {  	_ = 	snop;
	(pc) =	sbr.rel @p0 .LBB2_2-.Ltmp0, $4  }
0x43: {  	s26 =	sadd.s32 $0x16400, s26  }
0x44: {  	[spmem:s2] =	stream.indirect.scatter.add.f32 [tilespmem:s20], [sflag:$0x2], $0x80, s26, s15, $0xb8;
	[tilespmem:$0x1F380] =	vst v63  }
0x45: {  	_ =	swait.ge [sflag:s21], $0x2800  }
0x46: {  	[sflag:s21] =	ssyncset.done $0x0  }
0x47: {  	[sflag:s21] =	ssyncadd.s32 $0xFFFFD800  }
0x48: {  	_ =	swait.ge [sflag:s19], $0x2800  }
0x49: {  	[sflag:s19] =	ssyncset.done $0x0  }
0x4a: {  	[sflag:s19] =	ssyncadd.s32 $0xFFFFD800  }
0x4b: {  	[spmem:s2] =	stream.indirect.scatter.add.f32 [tilespmem:s16], [sflag:$0x2], $0x80, s22, s15, $0xb8;
	[tilespmem:$0x1F380] =	vst v63  }
0x4c: {  	_ =	swait.ge [sflag:s21], $0x2800  }
0x4d: {  	s23 =	sadd.s32 $0x1, s23;
	[sflag:s21] =	ssyncset.done $0x0  }
0x4e: {  	p0 =	sne.s32 s23, s9;
	[sflag:s21] =	ssyncadd.s32 $0xFFFFD800  }
.Ltmp1:
0x4f: {  	[bflag:$0x0] =	sbarrier.arrive $0xFFFF;
	(pc) =	sbr.rel @p0 .LBB2_1-.Ltmp1, $4  }
0x50: {  	[hbm:s8], [sflag:s17] =	dma.local [spmem:s18], $0x2780  }
0x51: {  	_ =	swait.ge [sflag:s13], $0x2780  }
0x52: {  	[sflag:s13] =	ssyncset.done $0x0  }
0x53: {  	[sflag:s13] =	ssyncadd.s32 $0xFFFFD880  }
0x54: {  	_ =	sfence.sel $0x180000  }
0x55: {  	[bflag:$0x0] =	sbarrier.arrive $0xFFFF  }
0x56: {  	p0 =	sne.s32 s0, $0x0;
	_ =	strace $0x9000004A  }
0x57: {  	s0 =	sadd.s32 @!p0 $0x100000, s1;
	[bflag:$0x2] =	sbarrier.arrive $0xFFFF  }
0x58: {  	[sflag:s0] =	ssyncadd.tile.s32 @!p0 $0x1;
	_ =	shalt  }
.Lfunc_end2:
_tile_overlayer_lowered:
.L_overlay_start_2:
0x59: {  	(tag) =	ssettag $0x2  }
0x5a: {  	s0 =	rddreg [dreg:$0x0];
	s2 =	stileid.u32  }
0x5b: {  	s1 =	rddreg [dreg:$0x1];
	p0 =	sne.s32 s2, $0x0  }
0x5c: {  	s3 =	rddreg [dreg:$0x2];
	[bflag:$0x3] =	sbarrier.arrive $0xFFFF;
	s2 =	simm.s32 @!p0 $0x1C03  }
0x5d: {  	[timem:s3], [sflag:s2] =	dma.local @!p0 [hbm:s0], s1  }
0x5e: {  	s0 =	simm.s32 @!p0 $0x3  }
0x5f: {  	_ =	swait.ge @!p0 [sflag:s0], s1  }
0x60: {  	s1 =	ssub.s32 @!p0 $0x0, s1;
	[sflag:s0] =	ssyncset.done @!p0 $0x0  }
0x61: {  	[sflag:s0] =	ssyncadd.s32 @!p0 s1  }
0x62: {  	[bflag:$0x3] =	sbarrier.arrive $0xFFFF  }
0x63: {  	_ =	shalt  }

// kernel: _impl.8.cloned.1.call-start
scs
__scs_entry_jumppad:
0x0: {  	(pc) =	sbr.rel $0x88, $3  }
0x1: {  	(tag) =	ssettag $0x0;
	lr =	simm.s32 $0x1  }
0x2: {  	[smem:$0x3F99] =	sst lr;
	_ =	strace $0xD0000000  }
0x3: {  	_ = 	snop  }
0x4: {  	_ = 	snop  }
0x5: {  	_ = 	snop  }
0x6: {  	_ = 	snop  }
0x7: {  	_ = 	snop  }
__scs_overlays_trampoline_lowered:
0x8: {  	[smem:$0x3FA8] =	sst s0  }
0x9: {  	[smem:$0x3FA9] =	sst s1  }
0xa: {  	[smem:$0x3FAA] =	sst s2  }
0xb: {  	[smem:$0x3FAB] =	sst s3  }
0xc: {  	[smem:$0x3FAC] =	sst s4  }
0xd: {  	[smem:$0x3FAD] =	sst s5  }
0xe: {  	[smem:$0x3FAE] =	sst s6  }
0xf: {  	[smem:$0x3FAF] =	sst s7  }
0x10: {  	[smem:$0x3FB0] =	sst s8  }
0x11: {  	[smem:$0x3FB1] =	sst s9;
	s0 =	simm.s32 @!p0 $0x0  }
0x12: {  	s1 =	sld [smem:$0x3F97];
	s0 =	simm.s32 @p0 $0x1  }
0x13: {  	[smem:$0x3FB2] =	sst s0;
	s0 =	simm.s32 @!p1 $0x0  }
0x14: {  	s2 =	sld [smem:$0x3F96];
	s0 =	simm.s32 @p1 $0x1  }
0x15: {  	[smem:$0x3FB3] =	sst s0;
	s0 =	simm.s32 @!p2 $0x0  }
0x16: {  	s3 =	sld [smem:$0x3FDB];
	s0 =	simm.s32 @p2 $0x1  }
0x17: {  	s4 =	simm.s32 $0x1BF5;
	[smem:$0x3FB5] =	sst s0  }
0x18: {  	s0 =	sld [smem:$0x3F98];
	_ =	swait.ge [sflag:s4], $0x0  }
0x19: {  	s7 =	sld [smem:$0x3F99]  }
0x1a: {  	s8 =	sadd.s32 $0xFFFFE003, lr  }
0x1b: {  	s9 =	sadd.s32 $0xFFFFFEF7, lr;
	s5 =	simm.s32 $0xFFFFFFFF;
	p2 =	slt.u32 s8, $0xFFFFF086  }
0x1c: {  	p1 =	slt.u32 s9, $0xF7A;
	s5 =	simm.s32 @!p2 $0x0  }
0x1d: {  	s5 =	simm.s32 @p1 $0x1;
	p0 =	seq.s32 s7, s2  }
0x1e: {  	s7 =	smul.u32 @!p0 $0xF7A, s2;
	p2 =	seq.s32 @!p0 s5, $0x0  }
0x1f: {  	s9 =	smul.u32 $0xF7A, s1;
	s8 =	simm.s32 @!p0 $0x1BF5;
	p2 =	por !p2, p0  }
0x20: {  	[sflag:s8] =	ssyncset.s32 @!p0 $0xFFFFF086;
	s6 =	sadd.s32 @!p0 s3, s7;
	s7 =	simm.s32 @!p0 $0x108  }
0x21: {  	s3 =	sadd.s32 s3, s9;
	s6 =	sadd.s32 @!p0 $0x88, s6;
	s7 =	simm.s32 @p2 $0x1082  }
0x22: {  	[simem:s7], [sflag:s8] =	dma.local @!p0 [hbm:s6], $0xF7A  }
0x23: {  	s9 =	sor.u32 $0xD0000000, s2;
	s6 =	simm.s32 $0x108;
	_ =	swait.ge @!p0 [sflag:s8], $0x0  }
0x24: {  	s3 =	sadd.s32 $0x88, s3;
	s6 =	simm.s32 @!p1 $0x1082;
	[sflag:s4] =	ssyncset.s32 $0xFFFFF086  }
0x25: {  	[simem:s6], [sflag:s4] =	dma.local [hbm:s3], $0xF7A  }
0x26: {  	[smem:$0x3F99] =	sst s1;
	(tag) =	ssettag s2;
	_ =	strace s9  }
0x27: {  	s1 =	sld [smem:$0x3FA9]  }
0x28: {  	s2 =	sld [smem:$0x3FAA]  }
0x29: {  	s4 =	sld [smem:$0x3FAC]  }
0x2a: {  	p0 =	seq.s32 s5, $0x0;
	s5 =	sld [smem:$0x3FAD]  }
0x2b: {  	s6 =	sld [smem:$0x3FAE]  }
0x2c: {  	s7 =	sld [smem:$0x3FAF]  }
0x2d: {  	s3 =	simm.s32 $0x108;
	s8 =	sld [smem:$0x3FB0]  }
0x2e: {  	s3 =	simm.s32 @!p0 $0x1082;
	s9 =	sld [smem:$0x3FB1]  }
0x2f: {  	lr =	sadd.s32 s0, s3;
	s0 =	sld [smem:$0x3FA8]  }
0x30: {  	s3 =	sld [smem:$0x3FAB]  }
0x31: {  	[smem:$0x3FB4] =	sst s10  }
0x32: {  	s10 =	sld [smem:$0x3FB2];
	_ =	sdelay $0x3  }
0x33: {  	p0 =	seq.s32 s10, $0x1;
	s10 =	sld [smem:$0x3FB4];
	_ =	sdelay $0x3  }
0x34: {  	[smem:$0x3FB4] =	sst s10  }
0x35: {  	s10 =	sld [smem:$0x3FB3];
	_ =	sdelay $0x3  }
0x36: {  	p1 =	seq.s32 s10, $0x1;
	s10 =	sld [smem:$0x3FB4];
	_ =	sdelay $0x3  }
0x37: {  	[smem:$0x3FB4] =	sst s10  }
0x38: {  	s10 =	sld [smem:$0x3FB5]  }
0x39: {  	_ = 	snop;
	(pc) =	sbr.ind lr, $3  }
0x3a: {  	_ = 	snop  }
0x3b: {  	_ = 	snop  }
0x3c: {  	p2 =	seq.s32 s10, $0x1;
	s10 =	sld [smem:$0x3FB4]  }
0x3d: {  	_ =	shalt  }
0x3e: {  	_ =	shalt  }
0x3f: {  	_ =	shalt  }
0x40: {  	_ =	shalt  }
0x41: {  	_ =	shalt  }
0x42: {  	_ =	shalt  }
0x43: {  	_ =	shalt  }
0x44: {  	_ =	shalt  }
0x45: {  	_ =	shalt  }
0x46: {  	_ =	shalt  }
0x47: {  	_ =	shalt  }
0x48: {  	_ =	shalt  }
0x49: {  	_ =	shalt  }
0x4a: {  	_ =	shalt  }
0x4b: {  	_ =	shalt  }
0x4c: {  	_ =	shalt  }
0x4d: {  	_ =	shalt  }
0x4e: {  	_ =	shalt  }
0x4f: {  	_ =	shalt  }
0x50: {  	_ =	shalt  }
0x51: {  	_ =	shalt  }
0x52: {  	_ =	shalt  }
0x53: {  	_ =	shalt  }
0x54: {  	_ =	shalt  }
0x55: {  	_ =	shalt  }
0x56: {  	_ =	shalt  }
0x57: {  	_ =	shalt  }
0x58: {  	_ =	shalt  }
0x59: {  	_ =	shalt  }
0x5a: {  	_ =	shalt  }
0x5b: {  	_ =	shalt  }
0x5c: {  	_ =	shalt  }
0x5d: {  	_ =	shalt  }
0x5e: {  	_ =	shalt  }
0x5f: {  	_ =	shalt  }
0x60: {  	_ =	shalt  }
0x61: {  	_ =	shalt  }
0x62: {  	_ =	shalt  }
0x63: {  	_ =	shalt  }
0x64: {  	_ =	shalt  }
0x65: {  	_ =	shalt  }
0x66: {  	_ =	shalt  }
0x67: {  	_ =	shalt  }
0x68: {  	_ =	shalt  }
0x69: {  	_ =	shalt  }
0x6a: {  	_ =	shalt  }
0x6b: {  	_ =	shalt  }
0x6c: {  	_ =	shalt  }
0x6d: {  	_ =	shalt  }
0x6e: {  	_ =	shalt  }
0x6f: {  	_ =	shalt  }
0x70: {  	_ =	shalt  }
0x71: {  	_ =	shalt  }
0x72: {  	_ =	shalt  }
0x73: {  	_ =	shalt  }
0x74: {  	_ =	shalt  }
0x75: {  	_ =	shalt  }
0x76: {  	_ =	shalt  }
0x77: {  	_ =	shalt  }
0x78: {  	_ =	shalt  }
0x79: {  	_ =	shalt  }
0x7a: {  	_ =	shalt  }
0x7b: {  	_ =	shalt  }
0x7c: {  	_ =	shalt  }
0x7d: {  	_ =	shalt  }
0x7e: {  	_ =	shalt  }
0x7f: {  	_ =	shalt  }
0x80: {  	_ =	shalt  }
0x81: {  	_ =	shalt  }
0x82: {  	_ =	shalt  }
0x83: {  	_ =	shalt  }
0x84: {  	_ =	shalt  }
0x85: {  	_ =	shalt  }
0x86: {  	_ =	shalt  }
0x87: {  	_ =	shalt  }
.Lfunc_end0:
.L_simem_size_0:
called_computation_lowered:
.L_overlay_start_0:
0x88: {  	s2 =	sld [smem:$0x3FD9]  }
0x89: {  	s3 =	sld [smem:$0x3FFE];
	_ =	sdelay $0x1  }
0x8a: {  	s1 =	srdreg.scid  }
0x8b: {  	s0 =	sand.u32 $0x1, s1  }
0x8c: {  	s17 =	sshll.u32 s0, $0xA;
	s2 =	sadd.s32 s3, s2  }
0x8d: {  	s2 =	sadd.s32 s2, s17  }
0x8e: {  	[smem:$0x3FC0] =	sst s2  }
0x8f: {  	_ = 	snop  }
0x90: {  	s2 =	sld [smem:$0x3FD0];
	(tm) =	ssettm $0x1  }
0x91: {  	s18 =	sld [smem:$0x3FFB];
	_ =	sdelay $0x3  }
0x92: {  	_ =	strace s18  }
0x93: {  	s3 =	sld [smem:$0x3FFC];
	_ =	sdelay $0x3  }
0x94: {  	_ =	strace s3  }
0x95: {  	s3 =	sld [smem:$0x3FFD];
	_ =	sdelay $0x3  }
0x96: {  	_ =	strace s3  }
0x97: {  	_ =	strace $0x8FFFFFFF  }
0x98: {  	s19 =	sld [smem:$0x3FDB];
	_ =	sdelay $0x1  }
0x99: {  	s4 =	simm.s32 $_scs_section_size  }
0x9a: {  	s5 =	simm.s32 $_size__tile_overlayer_lowered;
	s6 =	simm.s32 $_tile_overlayer_lowered  }
0x9b: {  	s22 =	simm.s32 $0x1BFF;
	s21 =	sshll.u32 s6, $0x1;
	s3 =	sadd.s32 s4, s19  }
0x9c: {  	s7 =	simm.s32 $0x0;
	s20 =	sshll.u32 s5, $0x1;
	s5 =	sadd.s32 s21, s3  }
0x9d: {  	[timem:s7], [sflag:s22] =	dma.local [hbm:s5], s20  }
0x9e: {  	_ =	swait.ge [sflag:s22], s20  }
0x9f: {  	s4 =	ssub.s32 $0x0, s20;
	[sflag:s22] =	ssyncset.done $0x0  }
0xa0: {  	[sflag:s22] =	ssyncadd.s32 s4;
	_ =	sdelay $0x1  }
0xa1: {  	s23 =	simm.s32 $0x1B8B  }
0xa2: {  	_ =	swait.ge [sflag:s23], $0x1  }
0xa3: {  	[sflag:s23] =	ssyncset.done $0x0  }
0xa4: {  	s25 =	simm.s32 $0x1B8E;
	s24 =	sld [smem:$0x3FFE];
	[sflag:s23] =	ssyncadd.s32 $0xFFFFFFFF  }
0xa5: {  	s26 =	simm.s32 $execute0_lowered;
	[smem:$0x3FD2] =	sst s25  }
0xa6: {  	s5 =	sshll.u32 s26, $0x1;
	_ =	strace $0x80000046;
	[dreg:$0x1] =	wrdreg $0xFFFFFFFF  }
0xa7: {  	s28 =	simm.s32 $_size_execute0_lowered;
	s3 =	sadd.s32 s3, s5;
	[dreg:$0x0] =	wrdreg $0x0  }
0xa8: {  	s5 =	sshll.u32 s28, $0x1;
	[dreg:$0x2] =	wrdreg s3  }
0xa9: {  	[dreg:$0x3] =	wrdreg s5  }
0xaa: {  	[dreg:$0x4] =	wrdreg $0xC0  }
0xab: {  	_ =	task [dreg:s7], $0x5FFFF  }
0xac: {  	[dreg:$0x1] =	wrdreg $0xFFFFFFFF  }
0xad: {  	[dreg:$0x0] =	wrdreg $0x60  }
0xae: {  	[dreg:$0x2] =	wrdreg s24  }
0xaf: {  	[dreg:$0x3] =	wrdreg s2  }
0xb0: {  	[dreg:$0x4] =	wrdreg $0x0  }
0xb1: {  	[dreg:$0x5] =	wrdreg $0x1F3800  }
0xb2: {  	[dreg:$0x6] =	wrdreg $0x9  }
0xb3: {  	_ =	task.clear_ibuf [dreg:s7], $0x7FFFF;
	_ =	strace $0x90000046  }
0xb4: {  	s29 =	simm.s32 $0x9;
	_ =	strace $0x80000048  }
0xb5: {  	_ =	swait.ge [sflag:s29], $0x1  }
0xb6: {  	[sflag:s29] =	ssyncadd.s32 $0xFFFFFFFF  }
0xb7: {  	_ =	strace $0x90000048  }
0xb8: {  	_ =	sfence  }
0xb9: {  	s30 =	sld [smem:$0x0];
	_ =	sdelay $0x2  }
0xba: {  	s31 =	sshll.u32 s1, $0xD;
	s1 =	sshrl.u32 s1, $0x2  }
0xbb: {  	s3 =	sand.u32 $0x4000, s31;
	s1 =	sadd.s32 s1, s30  }
0xbc: {  	s0 =	sor.u32 s3, s0;
	s1 =	sshll.u32 s1, $0x11  }
0xbd: {  	s0 =	sor.u32 s1, s0  }
0xbe: {  	s0 =	sadd.s32 $0x8F2B, s0  }
0xbf: {  	[sflag:s0] =	ssyncadd.remote.s32 $0x1  }
0xc0: {  	_ =	sfence.sel $0xFFFF  }
0xc1: {  	[dreg:$0x0] =	wrdreg $0xFFFFFFFF;
	(pc) =	sbr.abs _section_cstart, $3  }
0xc2: {  	[dreg:$0x1] =	wrdreg $0xFFFFFFFF  }
0xc3: {  	_ =	task.clear_ibuf [dreg:s7], $0x2FFFF;
	_ =	strace $0x9FFFFFFF  }
0xc4: {  	(tm) =	ssettm $0x7FFFFFFF  }
0xc5: {  	_ =	shalt  }
tec
execute0_lowered:
.L_overlay_start_1:
0x0: {  	(tag) =	ssettag $0x1  }
0x1: {  	s7 =	rddreg [dreg:$0x0]  }
0x2: {  	s9 =	rddreg [dreg:$0x1]  }
0x3: {  	s0 =	srdreg.scid;
	s1 =	rddreg [dreg:$0x2]  }
0x4: {  	s19 =	stileid.u32;
	s2 =	rddreg [dreg:$0x3];
	s3 =	simm.s32 $0x0  }
0x5: {  	s17 =	simm.s32 $0x50;
	s18 =	simm.s32 $0x1A380;
	s22 =	simm.s32 $0x1  }
0x6: {  	s23 =	simm.s32 $0x1CB80;
	s24 =	simm.s32 $0x1F5F8;
	s25 =	simm.s32 $0x2  }
0x7: {  	s28 =	simm.s32 $0x0;
	s6 =	sand.u32 $0x1, s0;
	s11 =	smul.u32 $0x2780, s19  }
0x8: {  	s5 =	sshll.u32 s19, $0x7;
	[smem:$0x7FF] =	sst s3;
	s15 =	smul.u32 $0x4F000, s19  }
0x9: {  	p0 =	sne.s32 s19, $0x0;
	s8 =	sshll.u32 s6, $0x4;
	s5 =	sand.u32 $0x380, s5  }
0xa: {  	_ =	strace $0x80000047;
	s13 =	smul.u32 $0x27800, s6;
	s6 =	ssub.s32 $0x2, s6  }
0xb: {  	s21 =	sshrl.u32 @!p0 s2, $0x3;
	s10 =	sor.u32 s19, s8;
	s14 =	sadd.s32 s11, s7  }
0xc: {  	s29 =	sshrl.u32 s6, $0x1;
	s16 =	sadd.s32 s8, s7;
	s31 =	sshrl.u32 s15, $0x2  }
0xd: {  	s15 =	simm.s32 $0x3;
	s19 =	sshll.u32 s19, $0x6;
	s26 =	sshrl.u32 s10, $0x3  }
0xe: {  	s11 =	sadd.s32 s11, s13;
	s13 =	ssub.s32 s6, s29;
	s30 =	sshll.u32 s10, $0xB  }
0xf: {  	s20 =	sadd.s32 s31, s1;
	s8 =	sadd.s32 $0x33800, s14;
	s4 =	smul.u32 $0x13C00, s26  }
0x10: {  	s10 =	sadd.s32 $0x5B600, s16;
	s14 =	simm.s32 $0x13C00;
	s16 =	simm.s32 $0x16380  }
0x11: {  	s19 =	sor.u32 $0x1C03, s19;
	s11 =	sadd.s32 s11, s7;
	s4 =	sor.u32 s5, s4  }
0x12: {  	s20 =	sshrl.u32 s20, $0x3;
	s26 =	simm.s32 $0x1A180;
	s5 =	sshrl.u32 s4, $0x3  }
0x13: {  	s4 =	sadd.s32 $0xC000, s7;
	s12 =	sadd.s32 s5, s7;
	s5 =	sadd.s32 $0x5B000, s7  }
0x14: {  	s7 =	sadd.s32 s9, s30;
	s9 =	sadd.s32 $0x5C000, s11;
	s11 =	smax.u32 s13, $0x1  }
0x15: {  	v0 =	vimm.f32 $1.000000000e+00;
	s13 =	simm.s32 $0x400;
	s6 =	sadd.s32 $0x2200, s12;
	s12 =	simm.s32 $0x80  }
.LBB2_1:
0x16: {  	[tilespmem:s14], [sflag:$0x3] =	stream.strided.gather [hbm4b:s6+s12], $0x2780, s13, s12, $0x38;
	[tilespmem:$0x1F678] =	vst v63  }
0x17: {  	_ =	swait.ge [sflag:s15], $0x2780  }
0x18: {  	[sflag:s15] =	ssyncset.done $0x0  }
0x19: {  	[sflag:s15] =	ssyncadd.s32 $0xFFFFD880  }
0x1a: {  	[tilespmem:s16], [sflag:$0x3] =	stream.linear.gather [hbm4b:s7+s3], $0x3E80, $0x38;
	[tilespmem:$0x1F678] =	vst v63  }
0x1b: {  	_ =	swait.ge [sflag:s15], $0x3E80  }
0x1c: {  	[sflag:s15] =	ssyncset.done $0x0  }
0x1d: {  	[sflag:s15] =	ssyncadd.s32 $0xFFFFC180  }
0x1e: {  	[tilespmem:s18], [sflag:$0x1] =	stream.indirect.gather [hbm4b:s4+s17], $0x80, s14, s17, $0xb8;
	[tilespmem:$0x1F678] =	vst v63  }
0x1f: {  	[spmem:s20], [sflag:s19] =	dma.local [hbm:s8], $0x2780  }
0x20: {  	_ =	swait.ge [sflag:s15], $0x2780  }
0x21: {  	[sflag:s15] =	ssyncset.done $0x0  }
0x22: {  	[sflag:s15] =	ssyncadd.s32 $0xFFFFD880  }
0x23: {  	[tilespmem:$0x1F5F8] =	vst v0  }
0x24: {  	[tilespmem:$0x1F608] =	vst v0  }
0x25: {  	[tilespmem:$0x1F618] =	vst v0  }
0x26: {  	[tilespmem:$0x1F628] =	vst v0  }
0x27: {  	s29 =	simm.s32 @!p0 $0x3;
	[tilespmem:$0x1F638] =	vst v0  }
0x28: {  	[spmem:s21], [sflag:s19] =	dma.local @!p0 [hbm:s5], $0x4F0  }
0x29: {  	_ =	swait.ge @!p0 [sflag:s29], $0x4F0  }
0x2a: {  	[sflag:s29] =	ssyncset.done @!p0 $0x0  }
0x2b: {  	[sflag:s29] =	ssyncadd.s32 @!p0 $0xFFFFFB10  }
0x2c: {  	[bflag:$0x0] =	sbarrier.arrive $0xFFFF  }
0x2d: {  	_ =	swait.ge [sflag:s22], $0x2800  }
0x2e: {  	[sflag:s22] =	ssyncset.done $0x0  }
0x2f: {  	s29 =	simm.s32 $0x13C50;
	[sflag:s22] =	ssyncadd.s32 $0xFFFFD800  }
0x30: {  	[tilespmem:s23], [sflag:$0x1] =	stream.indirect.gather [hbm4b:s4+s17], $0x80, s29, s17, $0xb8;
	[tilespmem:$0x1F678] =	vst v63  }
0x31: {  	s30 =	simm.s32 $0x16380  }
0x32: {  	[spmem:s1] =	stream.indirect.scatter.add.f32 [tilespmem:s18], [sflag:$0x2], $0x80, s30, s17, $0xb8;
	[tilespmem:$0x1F678] =	vst v63  }
0x33: {  	_ = 	snop  }
0x34: {  	[spmem:s2] =	stream.indirect.scatter.add.f32 [tilespmem:s24], [sflag:$0x3], $0x1, s30, s17, $0xb8;
	[tilespmem:$0x1F678] =	vst v63  }
0x35: {  	_ =	swait.ge [sflag:s15], $0x50  }
0x36: {  	[sflag:s15] =	ssyncset.done $0x0  }
0x37: {  	[sflag:s15] =	ssyncadd.s32 $0xFFFFFFB0  }
0x38: {  	_ =	swait.ge [sflag:s22], $0x2800  }
0x39: {  	[sflag:s22] =	ssyncset.done $0x0  }
0x3a: {  	[sflag:s22] =	ssyncadd.s32 $0xFFFFD800  }
0x3b: {  	_ =	swait.ge [sflag:s25], $0x2800  }
0x3c: {  	[sflag:s25] =	ssyncset.done $0x0  }
0x3d: {  	s30 =	simm.s32 $0x13CA0;
	[sflag:s25] =	ssyncadd.s32 $0xFFFFD800  }
0x3e: {  	[tilespmem:s18], [sflag:$0x1] =	stream.indirect.gather [hbm4b:s4+s17], $0x80, s30, s17, $0xb8;
	[tilespmem:$0x1F678] =	vst v63  }
0x3f: {  	s30 =	simm.s32 $0x16400  }
0x40: {  	[spmem:s1] =	stream.indirect.scatter.add.f32 [tilespmem:s23], [sflag:$0x2], $0x80, s30, s17, $0xb8;
	[tilespmem:$0x1F678] =	vst v63  }
0x41: {  	_ = 	snop  }
0x42: {  	[spmem:s2] =	stream.indirect.scatter.add.f32 [tilespmem:s24], [sflag:$0x3], $0x1, s30, s17, $0xb8;
	[tilespmem:$0x1F678] =	vst v63  }
0x43: {  	_ =	swait.ge [sflag:s15], $0x50  }
0x44: {  	[sflag:s15] =	ssyncset.done $0x0  }
0x45: {  	[sflag:s15] =	ssyncadd.s32 $0xFFFFFFB0  }
0x46: {  	_ =	swait.ge [sflag:s25], $0x2800  }
0x47: {  	s30 =	simm.s32 $0x400;
	[sflag:s25] =	ssyncset.done $0x0  }
.LBB2_2:
0x48: {  	p1 =	sne.s32 s30, $0xF400;
	[sflag:s25] =	ssyncadd.s32 $0xFFFFD800;
	s29 =	sadd.s32 $0xA0, s29  }
0x49: {  	s31 =	smov.u32 s30;
	s30 =	sadd.s32 $0x400, s30;
	_ =	swait.ge [sflag:s22], $0x2800  }
0x4a: {  	[sflag:s22] =	ssyncset.done $0x0  }
0x4b: {  	s31 =	sshra.s32 s31, $0x2;
	[sflag:s22] =	ssyncadd.s32 $0xFFFFD800  }
0x4c: {  	[tilespmem:s23], [sflag:$0x1] =	stream.indirect.gather [hbm4b:s4+s17], $0x80, s29, s17, $0xb8;
	[tilespmem:$0x1F678] =	vst v63  }
0x4d: {  	s0 =	sadd.s32 $0x16380, s31  }
0x4e: {  	[spmem:s1] =	stream.indirect.scatter.add.f32 [tilespmem:s18], [sflag:$0x2], $0x80, s0, s17, $0xb8;
	[tilespmem:$0x1F678] =	vst v63  }
0x4f: {  	_ = 	snop  }
0x50: {  	[spmem:s2] =	stream.indirect.scatter.add.f32 [tilespmem:s24], [sflag:$0x3], $0x1, s0, s17, $0xb8;
	[tilespmem:$0x1F678] =	vst v63  }
0x51: {  	_ =	swait.ge [sflag:s15], $0x50  }
0x52: {  	[sflag:s15] =	ssyncset.done $0x0  }
0x53: {  	[sflag:s15] =	ssyncadd.s32 $0xFFFFFFB0  }
0x54: {  	_ =	swait.ge [sflag:s22], $0x2800  }
0x55: {  	[sflag:s22] =	ssyncset.done $0x0  }
0x56: {  	[sflag:s22] =	ssyncadd.s32 $0xFFFFD800  }
0x57: {  	_ =	swait.ge [sflag:s25], $0x2800  }
0x58: {  	[sflag:s25] =	ssyncset.done $0x0  }
0x59: {  	s0 =	sadd.s32 $0x50, s29;
	[sflag:s25] =	ssyncadd.s32 $0xFFFFD800  }
0x5a: {  	[tilespmem:s18], [sflag:$0x1] =	stream.indirect.gather [hbm4b:s4+s17], $0x80, s0, s17, $0xb8;
	[tilespmem:$0x1F678] =	vst v63  }
0x5b: {  	s0 =	sadd.s32 $0x16400, s31  }
0x5c: {  	[spmem:s1] =	stream.indirect.scatter.add.f32 [tilespmem:s23], [sflag:$0x2], $0x80, s0, s17, $0xb8;
	[tilespmem:$0x1F678] =	vst v63  }
0x5d: {  	_ = 	snop  }
0x5e: {  	[spmem:s2] =	stream.indirect.scatter.add.f32 [tilespmem:s24], [sflag:$0x3], $0x1, s0, s17, $0xb8;
	[tilespmem:$0x1F678] =	vst v63  }
.Ltmp0:
0x5f: {  	_ =	swait.ge [sflag:s15], $0x50;
	(pc) =	sbr.rel @p1 .LBB2_2-.Ltmp0, $4  }
0x60: {  	[sflag:s15] =	ssyncset.done $0x0  }
0x61: {  	[sflag:s15] =	ssyncadd.s32 $0xFFFFFFB0  }
0x62: {  	_ =	swait.ge [sflag:s25], $0x2800  }
0x63: {  	[sflag:s25] =	ssyncset.done $0x0  }
0x64: {  	[sflag:s25] =	ssyncadd.s32 $0xFFFFD800  }
0x65: {  	_ =	swait.ge [sflag:s22], $0x2800  }
0x66: {  	[sflag:s22] =	ssyncset.done $0x0  }
0x67: {  	[sflag:s22] =	ssyncadd.s32 $0xFFFFD800  }
0x68: {  	[spmem:s1] =	stream.indirect.scatter.add.f32 [tilespmem:s18], [sflag:$0x2], $0x80, s26, s17, $0xb8;
	[tilespmem:$0x1F678] =	vst v63  }
0x69: {  	_ = 	snop  }
0x6a: {  	[spmem:s2] =	stream.indirect.scatter.add.f32 [tilespmem:s24], [sflag:$0x3], $0x1, s26, s17, $0xb8;
	[tilespmem:$0x1F678] =	vst v63  }
0x6b: {  	_ =	swait.ge [sflag:s15], $0x50  }
0x6c: {  	[sflag:s15] =	ssyncset.done $0x0  }
0x6d: {  	[sflag:s15] =	ssyncadd.s32 $0xFFFFFFB0  }
0x6e: {  	_ =	swait.ge [sflag:s25], $0x2800  }
0x6f: {  	[sflag:s25] =	ssyncset.done $0x0  }
0x70: {  	[sflag:s25] =	ssyncadd.s32 $0xFFFFD800  }
0x71: {  	[bflag:$0x0] =	sbarrier.arrive $0xFFFF  }
0x72: {  	[hbm:s9], [sflag:s19] =	dma.local [spmem:s20], $0x2780  }
0x73: {  	s0 =	simm.s32 @!p0 $0x1;
	_ =	swait.ge [sflag:s15], $0x2780  }
0x74: {  	s29 =	simm.s32 @!p0 $0x20;
	s28 =	sadd.s32 $0x1, s28;
	[sflag:s15] =	ssyncset.done $0x0  }
0x75: {  	s30 =	simm.s32 @!p0 $0x10;
	p1 =	sne.s32 s28, s11;
	[sflag:s15] =	ssyncadd.s32 $0xFFFFD880  }
0x76: {  	[hbm:s10@s29], [sflag:s19] =	dma.strided @!p0 [spmem:s21@s30], $0x4F0, s0, $0x10   }
.Ltmp1:
0x77: {  	_ = 	snop;
	(pc) =	sbr.rel @p1 .LBB2_1-.Ltmp1, $4  }
0x78: {  	s0 =	simm.s32 @!p0 $0x3  }
0x79: {  	_ =	swait.ge @!p0 [sflag:s0], $0x4F0  }
0x7a: {  	[sflag:s0] =	ssyncset.done @!p0 $0x0  }
0x7b: {  	[sflag:s0] =	ssyncadd.s32 @!p0 $0xFFFFFB10  }
0x7c: {  	_ =	sfence.sel $0x180000  }
0x7d: {  	[bflag:$0x0] =	sbarrier.arrive $0xFFFF  }
0x7e: {  	_ =	strace $0x90000047  }
0x7f: {  	[bflag:$0x2] =	sbarrier.arrive $0xFFFF  }
0x80: {  	s0 =	rddreg [dreg:$0x4]  }
0x81: {  	s0 =	sadd.s32 @!p0 $0x100000, s0  }
0x82: {  	[sflag:s0] =	ssyncadd.tile.s32 @!p0 $0x1;
	_ =	shalt  }
.Lfunc_end2:
_tile_overlayer_lowered:
.L_overlay_start_2:
0x83: {  	(tag) =	ssettag $0x2  }
0x84: {  	s0 =	rddreg [dreg:$0x0];
	s2 =	stileid.u32  }
0x85: {  	s1 =	rddreg [dreg:$0x1];
	p0 =	sne.s32 s2, $0x0  }
0x86: {  	s3 =	rddreg [dreg:$0x2];
	[bflag:$0x3] =	sbarrier.arrive $0xFFFF;
	s2 =	simm.s32 @!p0 $0x1C03  }
0x87: {  	[timem:s3], [sflag:s2] =	dma.local @!p0 [hbm:s0], s1  }
0x88: {  	s0 =	simm.s32 @!p0 $0x3  }
0x89: {  	_ =	swait.ge @!p0 [sflag:s0], s1  }
0x8a: {  	s1 =	ssub.s32 @!p0 $0x0, s1;
	[sflag:s0] =	ssyncset.done @!p0 $0x0  }
0x8b: {  	[sflag:s0] =	ssyncadd.s32 @!p0 s1  }
0x8c: {  	[bflag:$0x3] =	sbarrier.arrive $0xFFFF  }
0x8d: {  	_ =	shalt  }

</sc_bundles>
